<compile_context>
chip_gen: v7x
topology: tpu7x:2x2x1
jax: 0.10.2.dev20260603
libtpu: 0.0.44.dev20260713+nightly
codegen_flags: <defaults>
</compile_context>

<pallas_src>
import functools

import jax
import jax.numpy as jnp
from jax import lax
from jax.experimental import pallas as pl
from jax.experimental.pallas import tpu as pltpu
from jax.experimental.pallas import tpu_sc as plsc

_EPS = 1e-5

_NC = 2
_NS = 16
_NW = _NC * _NS
_SUB = 128


def _sc_gather(user_ids, item_ids, user_table, item_table):
    B = user_ids.shape[0]
    D = user_table.shape[1]
    ch = B // _NW
    nchunk = ch // _SUB

    uids2 = user_ids.reshape(B // _SUB, _SUB)
    iids2 = item_ids.reshape(B // _SUB, _SUB)

    mesh = plsc.VectorSubcoreMesh(core_axis_name="c", subcore_axis_name="s")

    @functools.partial(
        pl.kernel,
        mesh=mesh,
        out_type=jax.ShapeDtypeStruct((B, 2 * D), jnp.float32),
        scratch_types=[
            pltpu.VMEM((nchunk, _SUB), jnp.int32),
            pltpu.VMEM((ch, D), jnp.float32),
            pltpu.SemaphoreType.DMA,
        ],
    )
    def gk(uids, iids, ut, it, out, idx_v, rows_v, sem):
        wid = lax.axis_index("s") * _NC + lax.axis_index("c")
        base = wid * ch
        for col, ids, tbl in ((0, uids, ut), (D, iids, it)):
            pltpu.sync_copy(ids.at[pl.ds(wid * nchunk, nchunk)], idx_v)
            handles = []
            for j in range(nchunk):
                handles.append(
                    pltpu.async_copy(
                        tbl.at[idx_v.at[j]],
                        rows_v.at[pl.ds(j * _SUB, _SUB)],
                        sem,
                    )
                )
            for h in handles:
                h.wait()
            pltpu.sync_copy(rows_v, out.at[pl.ds(base, ch), pl.ds(col, D)])

    return gk(uids2, iids2, user_table, item_table)


def _genre_body(gid_ref, gt_ref, aw_ref, ge_ref, *, G, NGP, TB):
    f32 = jnp.float32
    bf16 = jnp.bfloat16
    L = G * NGP
    gt = gt_ref[...]
    aw = aw_ref[...]
    lt_row = lax.dot_general(aw, gt, (((1,), (1,)), ((), ())),
                             preferred_element_type=f32)
    lt_tiled = jnp.concatenate([lt_row] * G, axis=1)
    rg = lax.broadcasted_iota(jnp.int32, (G, L), 0)
    rl = lax.broadcasted_iota(jnp.int32, (G, L), 1)
    R = (rg == rl // NGP).astype(bf16)
    gid_rep = lax.dot_general(gid_ref[...].astype(bf16), R,
                              (((1,), (0,)), ((), ())),
                              preferred_element_type=f32)
    lane_t = (lax.broadcasted_iota(jnp.int32, (TB, L), 1) % NGP).astype(f32)
    cmp = gid_rep == lane_t
    mlt = jnp.where(cmp, lt_tiled, 0.0)
    l5 = lax.dot_general(mlt.astype(bf16), R, (((1,), (1,)), ((), ())),
                         preferred_element_type=f32)
    m = jnp.max(l5, axis=1, keepdims=True)
    e5 = jnp.exp(l5 - m)
    w5 = e5 / jnp.sum(e5, axis=1, keepdims=True)
    w_rep = lax.dot_general(w5.astype(bf16), R, (((1,), (0,)), ((), ())),
                            preferred_element_type=f32)
    woh = jnp.where(cmp, w_rep, 0.0)
    gt5 = jnp.concatenate([gt] * G, axis=0).astype(bf16)
    ge_ref[...] = lax.dot_general(woh.astype(bf16), gt5,
                                  (((1,), (0,)), ((), ())),
                                  preferred_element_type=f32).astype(bf16)


def _mlp_body(uei_ref, gemb_ref,
              w0ui_ref, w0g_ref, b0_ref, g0_ref, be0_ref,
              w1_ref, b1_ref, g1_ref, be1_ref,
              w2_ref, b2_ref, g2_ref, be2_ref,
              wp_ref, bp_ref,
              o_ref,
              z0_sc, s0_sc, ss0_sc,
              *, B, TB, NT):
    s = pl.program_id(0)
    bf16 = jnp.bfloat16

    def mm(a, w_ref):
        return lax.dot_general(a.astype(bf16), w_ref[...].astype(bf16),
                               (((1,), (1,)), ((), ())),
                               preferred_element_type=jnp.float32)

    @pl.when(s < NT)
    def _pass0():
        row = pl.ds(pl.multiple_of(s * TB, TB), TB)
        z = mm(uei_ref[...], w0ui_ref)
        z = z + mm(gemb_ref[...], w0g_ref) + b0_ref[...]
        z0_sc[row, :] = z

        @pl.when(s == 0)
        def _():
            s0_sc[...] = jnp.zeros_like(s0_sc)
            ss0_sc[...] = jnp.zeros_like(ss0_sc)

        s0_sc[...] += jnp.sum(z, axis=0, keepdims=True)
        ss0_sc[...] += jnp.sum(z * z, axis=0, keepdims=True)

    def bn_relu(z, s_row, ss_row, g_ref, be_ref):
        mean = s_row / B
        var = ss_row / B - mean * mean
        a = lax.rsqrt(var + _EPS) * g_ref[...]
        c = be_ref[...] - mean * a
        return jnp.maximum(z * a + c, 0.0)

    @pl.when(s == NT)
    def _rest():
        h0 = bn_relu(z0_sc[...], s0_sc[...], ss0_sc[...], g0_ref, be0_ref)
        z1 = mm(h0, w1_ref) + b1_ref[...]
        h1 = bn_relu(z1, jnp.sum(z1, axis=0, keepdims=True),
                     jnp.sum(z1 * z1, axis=0, keepdims=True),
                     g1_ref, be1_ref)
        z2 = mm(h1, w2_ref) + b2_ref[...]
        h2 = bn_relu(z2, jnp.sum(z2, axis=0, keepdims=True),
                     jnp.sum(z2 * z2, axis=0, keepdims=True),
                     g2_ref, be2_ref)
        ot = lax.dot_general(wp_ref[...].astype(bf16), h2.astype(bf16),
                             (((1,), (1,)), ((), ())),
                             preferred_element_type=jnp.float32) + bp_ref[0, 0]
        o_ref[...] = (jax.nn.sigmoid(ot) * 5.0).reshape(1, 1, B)


def kernel(user_ids, item_ids, genre_ids, user_table, item_table, genre_table,
           attn_w, attn_b, W0, b0, gamma0, beta0, W1, b1, gamma1, beta1,
           W2, b2, gamma2, beta2, Wp, bp):
    B = user_ids.shape[0]
    G = genre_ids.shape[1]
    NG, DG = genre_table.shape
    D = user_table.shape[1]
    TB = 4096
    nt = B // TB
    f32 = jnp.float32

    uei = _sc_gather(user_ids.astype(jnp.int32), item_ids.astype(jnp.int32),
                     user_table, item_table)

    NGP = 24
    gt_pad = jnp.zeros((NGP, DG), f32).at[:NG].set(genre_table)
    gid = genre_ids.astype(jnp.int32)

    gemb = pl.pallas_call(
        functools.partial(_genre_body, G=G, NGP=NGP, TB=TB),
        grid=(nt,),
        in_specs=[
            pl.BlockSpec((TB, G), lambda i: (i, 0)),
            pl.BlockSpec((NGP, DG), lambda i: (0, 0)),
            pl.BlockSpec((1, DG), lambda i: (0, 0)),
        ],
        out_specs=pl.BlockSpec((TB, DG), lambda i: (i, 0)),
        out_shape=jax.ShapeDtypeStruct((B, DG), jnp.bfloat16),
    )(gid, gt_pad, attn_w)

    H0, H1, H2 = W0.shape[0], W1.shape[0], W2.shape[0]
    row = lambda v: v.reshape(1, -1)

    p0 = lambda s: (jnp.minimum(s, nt - 1), 0)
    fix = lambda s: (0, 0)
    full = lambda sh: pl.BlockSpec(sh, fix)

    out = pl.pallas_call(
        functools.partial(_mlp_body, B=B, TB=TB, NT=nt),
        grid=(nt + 1,),
        in_specs=[
            pl.BlockSpec((TB, 2 * D), p0),
            pl.BlockSpec((TB, DG), p0),
            full((H0, 2 * D)), full((H0, DG)),
            full((1, H0)), full((1, H0)), full((1, H0)),
            full((H1, H0)), full((1, H1)), full((1, H1)), full((1, H1)),
            full((H2, H1)), full((1, H2)), full((1, H2)), full((1, H2)),
            full((1, H2)), full((1, 1)),
        ],
        out_specs=pl.BlockSpec((1, 1, B), lambda s: (0, 0, 0)),
        out_shape=jax.ShapeDtypeStruct((1, 1, B), f32),
        scratch_shapes=[
            pltpu.VMEM((B, H0), f32),
            pltpu.VMEM((1, H0), f32), pltpu.VMEM((1, H0), f32),
        ],
    )(uei, gemb,
      W0[:, :2 * D], W0[:, 2 * D:],
      row(b0), row(gamma0), row(beta0),
      W1, row(b1), row(gamma1), row(beta1),
      W2, row(b2), row(gamma2), row(beta2),
      Wp, row(bp))

    return out.reshape(B)

# --- scband reference (transcript-rebuilt; emitter-appended) ---
"""Pipeline reference for scband-deep-ncf-5179730559171 (READ-ONLY COPY).

The authoritative reference and input builder live on the scoring server;
editing this copy changes nothing except your own understanding.
"""

import jax, jax.numpy as jnp
import numpy as np

B = 16384
D = 128
DG = 32
G = 5
NU = 100000
NI = 100000
NG = 20
H = [256, 128, 64]

def _xavier(key, shape):
    fan_in, fan_out = shape[-1], shape[0]
    std = float(np.sqrt(2.0 / (fan_in + fan_out)))
    return jax.random.normal(key, shape, dtype=jnp.float32) * std

def setup_inputs(seed: int = 0) -> dict:
    key = jax.random.key(seed)
    ks = jax.random.split(key, 16)
    inp = {}
    inp['user_ids'] = jax.random.randint(ks[0], (B,), 0, NU, dtype=jnp.int64 if jax.config.jax_enable_x64 else jnp.int32)
    inp['item_ids'] = jax.random.randint(ks[1], (B,), 0, NI, dtype=jnp.int64 if jax.config.jax_enable_x64 else jnp.int32)
    inp['genre_ids'] = jax.random.randint(ks[2], (B, G), 0, NG, dtype=jnp.int64 if jax.config.jax_enable_x64 else jnp.int32)
    inp['user_table'] = _xavier(ks[3], (NU, D))
    inp['item_table'] = _xavier(ks[4], (NI, D))
    inp['genre_table'] = _xavier(ks[5], (NG, DG))
    inp['attn_w'] = _xavier(ks[6], (1, DG))
    inp['attn_b'] = jnp.zeros((1,), dtype=jnp.float32)
    dims_in = [D * 2 + DG] + H[:-1]
    for i, (di, do) in enumerate(zip(dims_in, H)):
        inp[f'W{i}'] = _xavier(ks[7 + i], (do, di))
        inp[f'b{i}'] = jnp.zeros((do,), dtype=jnp.float32)
        inp[f'gamma{i}'] = jnp.ones((do,), dtype=jnp.float32)
        inp[f'beta{i}'] = jnp.zeros((do,), dtype=jnp.float32)
    inp['Wp'] = _xavier(ks[12], (1, H[-1]))
    inp['bp'] = jnp.zeros((1,), dtype=jnp.float32)
    return inp

def _batchnorm(x, gamma, beta, eps=1e-5):
    mu = jnp.mean(x, axis=0)
    var = jnp.var(x, axis=0)
    return gamma * (x - mu) / jnp.sqrt(var + eps) + beta

def reference(user_ids, item_ids, genre_ids, user_table, item_table, genre_table, attn_w, attn_b, W0, b0, gamma0, beta0, W1, b1, gamma1, beta1, W2, b2, gamma2, beta2, Wp, bp):
    ue = jnp.take(user_table, user_ids, axis=0)
    ie = jnp.take(item_table, item_ids, axis=0)
    ge = jnp.take(genre_table, genre_ids, axis=0)  # [B, G, DG]
    logits = jnp.einsum('bgd,od->bgo', ge, attn_w) + attn_b  # [B, G, 1]
    attn = jax.nn.softmax(logits, axis=1)
    gemb = jnp.sum(ge * attn, axis=1)  # [B, DG]
    x = jnp.concatenate([ue, ie, gemb], axis=-1)
    for (Wl, bl, gl, bel) in [(W0, b0, gamma0, beta0), (W1, b1, gamma1, beta1), (W2, b2, gamma2, beta2)]:
        x = x @ Wl.T + bl
        x = _batchnorm(x, gl, bel)
        x = jax.nn.relu(x)
        # dropout is identity at inference
    x = x @ Wp.T + bp
    return jax.nn.sigmoid(x).squeeze() * 5.0

if False:  # reference __main__ guard neutralized (emitter)
    out = reference(**setup_inputs())
    print(out.shape, out.dtype)

if __name__ == "__main__":
    import jax
    _d = setup_inputs()
    print(jax.jit(kernel)(*tuple(_d.values())))

</pallas_src>

<mosaic_0001>
#map = affine_map<(d0, d1) -> (0, 0)>
module attributes {stable_mosaic.version = 14 : i64} {
  func.func @gk(%arg0: i32, %arg1: i32, %arg2: memref<128x128xi32, #tpu.memory_space<hbm>>, %arg3: memref<128x128xi32, #tpu.memory_space<hbm>>, %arg4: memref<100000x128xf32, #tpu.memory_space<hbm>>, %arg5: memref<100000x128xf32, #tpu.memory_space<hbm>>, %arg6: memref<16384x256xf32, #tpu.memory_space<hbm>>, %arg7: memref<4x128xi32, #tpu.memory_space<vmem>>, %arg8: memref<512x128xf32, #tpu.memory_space<vmem>>, %arg9: memref<!tpu.dma_semaphore, #tpu.memory_space<semaphore_mem>>) attributes {dimension_semantics = [#tpu.dimension_semantics<core_parallel>, #tpu.dimension_semantics<subcore_parallel>], iteration_bounds = array<i64: 2, 16>, scalar_prefetch = 0 : i64, scratch_operands = 3 : i64, tpu.core_type = #tpu.core_type<sc_vector_subcore>, window_params = [{transform_indices = #map}, {transform_indices = #map}, {transform_indices = #map}, {transform_indices = #map}, {transform_indices = #map}]} {
    %mul3A = arith.constant 2 : i32
    %mul3A_0 = arith.muli %arg1, %mul3A : i32
    %add3A = arith.addi %mul3A_0, %arg0 : i32
    %mul3A_1 = arith.constant 512 : i32
    %mul3A_2 = arith.muli %add3A, %mul3A_1 : i32
    %mul3A_3 = arith.constant 4 : i32
    %mul3A_4 = arith.muli %add3A, %mul3A_3 : i32
    "tpu.region"() ({
      %run_scoped3A = tpu.sem_alloc : memref<!tpu.dma_semaphore, #tpu.memory_space<semaphore_mem>>
      %dma_start3A_165 = arith.constant 0 : i32
      %dma_start3A_166 = tpu.memref_slice %arg2[%mul3A_4, %dma_start3A_165] : memref<128x128xi32, #tpu.memory_space<hbm>> -> memref<4x128xi32, #tpu.memory_space<hbm>>
      %dma_start3A_167 = arith.constant 0 : i32
      %dma_start3A_168 = tpu.memref_slice %arg2[%mul3A_4, %dma_start3A_167] : memref<128x128xi32, #tpu.memory_space<hbm>> -> memref<4x128xi32, #tpu.memory_space<hbm>>
      tpu.enqueue_dma source(%dma_start3A_168 : memref<4x128xi32, #tpu.memory_space<hbm>>) target(%arg7 : memref<4x128xi32, #tpu.memory_space<vmem>>) target_semaphore(%run_scoped3A : memref<!tpu.dma_semaphore, #tpu.memory_space<semaphore_mem>>)
      %dma_wait3A_169 = arith.constant 0 : i32
      %dma_wait3A_170 = tpu.memref_slice %arg2[%mul3A_4, %dma_wait3A_169] : memref<128x128xi32, #tpu.memory_space<hbm>> -> memref<4x128xi32, #tpu.memory_space<hbm>>
      %dma_wait3A_171 = arith.constant 0 : i32
      %dma_wait3A_172 = tpu.memref_slice %arg2[%mul3A_4, %dma_wait3A_171] : memref<128x128xi32, #tpu.memory_space<hbm>> -> memref<4x128xi32, #tpu.memory_space<hbm>>
      tpu.wait_dma2 semaphore(%run_scoped3A : memref<!tpu.dma_semaphore, #tpu.memory_space<semaphore_mem>>) src(%dma_wait3A_172 : memref<4x128xi32, #tpu.memory_space<hbm>>) dst(%arg7 : memref<4x128xi32, #tpu.memory_space<vmem>>)
      tpu.yield
    }) : () -> ()
    %dma_start3A = arith.constant 0 : i32
    %dma_start3A_5 = arith.constant 0 : i32
    %dma_start3A_6 = arith.constant 0 : i32
    %dma_start3A_7 = tpu.memref_slice %arg8[%dma_start3A_5, %dma_start3A_6] : memref<512x128xf32, #tpu.memory_space<vmem>> -> memref<128x128xf32, #tpu.memory_space<vmem>>
    %dma_start3A_8 = arith.constant 0 : i32
    %dma_start3A_9 = tpu.memref_slice %arg7[%dma_start3A, %dma_start3A_8] : memref<4x128xi32, #tpu.memory_space<vmem>> -> memref<1x128xi32, #tpu.memory_space<vmem>>
    %dma_start3A_10 = tpu.memref_squeeze %dma_start3A_9 : memref<1x128xi32, #tpu.memory_space<vmem>> -> memref<128xi32, #tpu.memory_space<vmem>>
    %dma_start3A_11 = arith.constant 0 : i32
    %dma_start3A_12 = arith.constant 0 : i32
    %dma_start3A_13 = tpu.memref_slice %arg4[%dma_start3A_11, %dma_start3A_12] : memref<100000x128xf32, #tpu.memory_space<hbm>> -> memref<100000x128xf32, #tpu.memory_space<hbm>>
    tpu.enqueue_indirect_dma source(%dma_start3A_13 : memref<100000x128xf32, #tpu.memory_space<hbm>>) target(%dma_start3A_7 : memref<128x128xf32, #tpu.memory_space<vmem>>) offsets(%dma_start3A_10 : memref<128xi32, #tpu.memory_space<vmem>>) semaphore(%arg9 : memref<!tpu.dma_semaphore, #tpu.memory_space<semaphore_mem>>)
    %dma_start3A_14 = arith.constant 1 : i32
    %dma_start3A_15 = arith.constant 128 : i32
    %dma_start3A_16 = arith.constant 0 : i32
    %dma_start3A_17 = tpu.memref_slice %arg8[%dma_start3A_15, %dma_start3A_16] : memref<512x128xf32, #tpu.memory_space<vmem>> -> memref<128x128xf32, #tpu.memory_space<vmem>>
    %dma_start3A_18 = arith.constant 0 : i32
    %dma_start3A_19 = tpu.memref_slice %arg7[%dma_start3A_14, %dma_start3A_18] : memref<4x128xi32, #tpu.memory_space<vmem>> -> memref<1x128xi32, #tpu.memory_space<vmem>>
    %dma_start3A_20 = tpu.memref_squeeze %dma_start3A_19 : memref<1x128xi32, #tpu.memory_space<vmem>> -> memref<128xi32, #tpu.memory_space<vmem>>
    %dma_start3A_21 = arith.constant 0 : i32
    %dma_start3A_22 = arith.constant 0 : i32
    %dma_start3A_23 = tpu.memref_slice %arg4[%dma_start3A_21, %dma_start3A_22] : memref<100000x128xf32, #tpu.memory_space<hbm>> -> memref<100000x128xf32, #tpu.memory_space<hbm>>
    tpu.enqueue_indirect_dma source(%dma_start3A_23 : memref<100000x128xf32, #tpu.memory_space<hbm>>) target(%dma_start3A_17 : memref<128x128xf32, #tpu.memory_space<vmem>>) offsets(%dma_start3A_20 : memref<128xi32, #tpu.memory_space<vmem>>) semaphore(%arg9 : memref<!tpu.dma_semaphore, #tpu.memory_space<semaphore_mem>>)
    %dma_start3A_24 = arith.constant 2 : i32
    %dma_start3A_25 = arith.constant 256 : i32
    %dma_start3A_26 = arith.constant 0 : i32
    %dma_start3A_27 = tpu.memref_slice %arg8[%dma_start3A_25, %dma_start3A_26] : memref<512x128xf32, #tpu.memory_space<vmem>> -> memref<128x128xf32, #tpu.memory_space<vmem>>
    %dma_start3A_28 = arith.constant 0 : i32
    %dma_start3A_29 = tpu.memref_slice %arg7[%dma_start3A_24, %dma_start3A_28] : memref<4x128xi32, #tpu.memory_space<vmem>> -> memref<1x128xi32, #tpu.memory_space<vmem>>
    %dma_start3A_30 = tpu.memref_squeeze %dma_start3A_29 : memref<1x128xi32, #tpu.memory_space<vmem>> -> memref<128xi32, #tpu.memory_space<vmem>>
    %dma_start3A_31 = arith.constant 0 : i32
    %dma_start3A_32 = arith.constant 0 : i32
    %dma_start3A_33 = tpu.memref_slice %arg4[%dma_start3A_31, %dma_start3A_32] : memref<100000x128xf32, #tpu.memory_space<hbm>> -> memref<100000x128xf32, #tpu.memory_space<hbm>>
    tpu.enqueue_indirect_dma source(%dma_start3A_33 : memref<100000x128xf32, #tpu.memory_space<hbm>>) target(%dma_start3A_27 : memref<128x128xf32, #tpu.memory_space<vmem>>) offsets(%dma_start3A_30 : memref<128xi32, #tpu.memory_space<vmem>>) semaphore(%arg9 : memref<!tpu.dma_semaphore, #tpu.memory_space<semaphore_mem>>)
    %dma_start3A_34 = arith.constant 3 : i32
    %dma_start3A_35 = arith.constant 384 : i32
    %dma_start3A_36 = arith.constant 0 : i32
    %dma_start3A_37 = tpu.memref_slice %arg8[%dma_start3A_35, %dma_start3A_36] : memref<512x128xf32, #tpu.memory_space<vmem>> -> memref<128x128xf32, #tpu.memory_space<vmem>>
    %dma_start3A_38 = arith.constant 0 : i32
    %dma_start3A_39 = tpu.memref_slice %arg7[%dma_start3A_34, %dma_start3A_38] : memref<4x128xi32, #tpu.memory_space<vmem>> -> memref<1x128xi32, #tpu.memory_space<vmem>>
    %dma_start3A_40 = tpu.memref_squeeze %dma_start3A_39 : memref<1x128xi32, #tpu.memory_space<vmem>> -> memref<128xi32, #tpu.memory_space<vmem>>
    %dma_start3A_41 = arith.constant 0 : i32
    %dma_start3A_42 = arith.constant 0 : i32
    %dma_start3A_43 = tpu.memref_slice %arg4[%dma_start3A_41, %dma_start3A_42] : memref<100000x128xf32, #tpu.memory_space<hbm>> -> memref<100000x128xf32, #tpu.memory_space<hbm>>
    tpu.enqueue_indirect_dma source(%dma_start3A_43 : memref<100000x128xf32, #tpu.memory_space<hbm>>) target(%dma_start3A_37 : memref<128x128xf32, #tpu.memory_space<vmem>>) offsets(%dma_start3A_40 : memref<128xi32, #tpu.memory_space<vmem>>) semaphore(%arg9 : memref<!tpu.dma_semaphore, #tpu.memory_space<semaphore_mem>>)
    %dma_wait3A = arith.constant 0 : i32
    %dma_wait3A_44 = arith.constant 0 : i32
    %dma_wait3A_45 = arith.constant 0 : i32
    %dma_wait3A_46 = tpu.memref_slice %arg8[%dma_wait3A_44, %dma_wait3A_45] : memref<512x128xf32, #tpu.memory_space<vmem>> -> memref<128x128xf32, #tpu.memory_space<vmem>>
    %dma_wait3A_47 = arith.constant 0 : i32
    %dma_wait3A_48 = tpu.memref_slice %arg7[%dma_wait3A, %dma_wait3A_47] : memref<4x128xi32, #tpu.memory_space<vmem>> -> memref<1x128xi32, #tpu.memory_space<vmem>>
    %dma_wait3A_49 = tpu.memref_squeeze %dma_wait3A_48 : memref<1x128xi32, #tpu.memory_space<vmem>> -> memref<128xi32, #tpu.memory_space<vmem>>
    %dma_wait3A_50 = arith.constant 0 : i32
    %dma_wait3A_51 = arith.constant 0 : i32
    %dma_wait3A_52 = tpu.memref_slice %arg4[%dma_wait3A_50, %dma_wait3A_51] : memref<100000x128xf32, #tpu.memory_space<hbm>> -> memref<100000x128xf32, #tpu.memory_space<hbm>>
    tpu.wait_indirect_dma semaphore(%arg9 : memref<!tpu.dma_semaphore, #tpu.memory_space<semaphore_mem>>) src(%dma_wait3A_52 : memref<100000x128xf32, #tpu.memory_space<hbm>>) dst(%dma_wait3A_46 : memref<128x128xf32, #tpu.memory_space<vmem>>)
    %dma_wait3A_53 = arith.constant 1 : i32
    %dma_wait3A_54 = arith.constant 128 : i32
    %dma_wait3A_55 = arith.constant 0 : i32
    %dma_wait3A_56 = tpu.memref_slice %arg8[%dma_wait3A_54, %dma_wait3A_55] : memref<512x128xf32, #tpu.memory_space<vmem>> -> memref<128x128xf32, #tpu.memory_space<vmem>>
    %dma_wait3A_57 = arith.constant 0 : i32
    %dma_wait3A_58 = tpu.memref_slice %arg7[%dma_wait3A_53, %dma_wait3A_57] : memref<4x128xi32, #tpu.memory_space<vmem>> -> memref<1x128xi32, #tpu.memory_space<vmem>>
    %dma_wait3A_59 = tpu.memref_squeeze %dma_wait3A_58 : memref<1x128xi32, #tpu.memory_space<vmem>> -> memref<128xi32, #tpu.memory_space<vmem>>
    %dma_wait3A_60 = arith.constant 0 : i32
    %dma_wait3A_61 = arith.constant 0 : i32
    %dma_wait3A_62 = tpu.memref_slice %arg4[%dma_wait3A_60, %dma_wait3A_61] : memref<100000x128xf32, #tpu.memory_space<hbm>> -> memref<100000x128xf32, #tpu.memory_space<hbm>>
    tpu.wait_indirect_dma semaphore(%arg9 : memref<!tpu.dma_semaphore, #tpu.memory_space<semaphore_mem>>) src(%dma_wait3A_62 : memref<100000x128xf32, #tpu.memory_space<hbm>>) dst(%dma_wait3A_56 : memref<128x128xf32, #tpu.memory_space<vmem>>)
    %dma_wait3A_63 = arith.constant 2 : i32
    %dma_wait3A_64 = arith.constant 256 : i32
    %dma_wait3A_65 = arith.constant 0 : i32
    %dma_wait3A_66 = tpu.memref_slice %arg8[%dma_wait3A_64, %dma_wait3A_65] : memref<512x128xf32, #tpu.memory_space<vmem>> -> memref<128x128xf32, #tpu.memory_space<vmem>>
    %dma_wait3A_67 = arith.constant 0 : i32
    %dma_wait3A_68 = tpu.memref_slice %arg7[%dma_wait3A_63, %dma_wait3A_67] : memref<4x128xi32, #tpu.memory_space<vmem>> -> memref<1x128xi32, #tpu.memory_space<vmem>>
    %dma_wait3A_69 = tpu.memref_squeeze %dma_wait3A_68 : memref<1x128xi32, #tpu.memory_space<vmem>> -> memref<128xi32, #tpu.memory_space<vmem>>
    %dma_wait3A_70 = arith.constant 0 : i32
    %dma_wait3A_71 = arith.constant 0 : i32
    %dma_wait3A_72 = tpu.memref_slice %arg4[%dma_wait3A_70, %dma_wait3A_71] : memref<100000x128xf32, #tpu.memory_space<hbm>> -> memref<100000x128xf32, #tpu.memory_space<hbm>>
    tpu.wait_indirect_dma semaphore(%arg9 : memref<!tpu.dma_semaphore, #tpu.memory_space<semaphore_mem>>) src(%dma_wait3A_72 : memref<100000x128xf32, #tpu.memory_space<hbm>>) dst(%dma_wait3A_66 : memref<128x128xf32, #tpu.memory_space<vmem>>)
    %dma_wait3A_73 = arith.constant 3 : i32
    %dma_wait3A_74 = arith.constant 384 : i32
    %dma_wait3A_75 = arith.constant 0 : i32
    %dma_wait3A_76 = tpu.memref_slice %arg8[%dma_wait3A_74, %dma_wait3A_75] : memref<512x128xf32, #tpu.memory_space<vmem>> -> memref<128x128xf32, #tpu.memory_space<vmem>>
    %dma_wait3A_77 = arith.constant 0 : i32
    %dma_wait3A_78 = tpu.memref_slice %arg7[%dma_wait3A_73, %dma_wait3A_77] : memref<4x128xi32, #tpu.memory_space<vmem>> -> memref<1x128xi32, #tpu.memory_space<vmem>>
    %dma_wait3A_79 = tpu.memref_squeeze %dma_wait3A_78 : memref<1x128xi32, #tpu.memory_space<vmem>> -> memref<128xi32, #tpu.memory_space<vmem>>
    %dma_wait3A_80 = arith.constant 0 : i32
    %dma_wait3A_81 = arith.constant 0 : i32
    %dma_wait3A_82 = tpu.memref_slice %arg4[%dma_wait3A_80, %dma_wait3A_81] : memref<100000x128xf32, #tpu.memory_space<hbm>> -> memref<100000x128xf32, #tpu.memory_space<hbm>>
    tpu.wait_indirect_dma semaphore(%arg9 : memref<!tpu.dma_semaphore, #tpu.memory_space<semaphore_mem>>) src(%dma_wait3A_82 : memref<100000x128xf32, #tpu.memory_space<hbm>>) dst(%dma_wait3A_76 : memref<128x128xf32, #tpu.memory_space<vmem>>)
    "tpu.region"() ({
      %run_scoped3A = tpu.sem_alloc : memref<!tpu.dma_semaphore, #tpu.memory_space<semaphore_mem>>
      %dma_start3A_165 = arith.constant 0 : i32
      %dma_start3A_166 = tpu.memref_slice %arg6[%mul3A_2, %dma_start3A_165] : memref<16384x256xf32, #tpu.memory_space<hbm>> -> memref<512x128xf32, #tpu.memory_space<hbm>>
      %dma_start3A_167 = arith.constant 0 : i32
      %dma_start3A_168 = tpu.memref_slice %arg6[%mul3A_2, %dma_start3A_167] : memref<16384x256xf32, #tpu.memory_space<hbm>> -> memref<512x128xf32, #tpu.memory_space<hbm>>
      tpu.enqueue_dma source(%arg8 : memref<512x128xf32, #tpu.memory_space<vmem>>) target(%dma_start3A_168 : memref<512x128xf32, #tpu.memory_space<hbm>>) target_semaphore(%run_scoped3A : memref<!tpu.dma_semaphore, #tpu.memory_space<semaphore_mem>>)
      %dma_wait3A_169 = arith.constant 0 : i32
      %dma_wait3A_170 = tpu.memref_slice %arg6[%mul3A_2, %dma_wait3A_169] : memref<16384x256xf32, #tpu.memory_space<hbm>> -> memref<512x128xf32, #tpu.memory_space<hbm>>
      %dma_wait3A_171 = arith.constant 0 : i32
      %dma_wait3A_172 = tpu.memref_slice %arg6[%mul3A_2, %dma_wait3A_171] : memref<16384x256xf32, #tpu.memory_space<hbm>> -> memref<512x128xf32, #tpu.memory_space<hbm>>
      tpu.wait_dma2 semaphore(%run_scoped3A : memref<!tpu.dma_semaphore, #tpu.memory_space<semaphore_mem>>) src(%arg8 : memref<512x128xf32, #tpu.memory_space<vmem>>) dst(%dma_wait3A_172 : memref<512x128xf32, #tpu.memory_space<hbm>>)
      tpu.yield
    }) : () -> ()
    %mul3A_83 = arith.constant 4 : i32
    %mul3A_84 = arith.muli %add3A, %mul3A_83 : i32
    "tpu.region"() ({
      %run_scoped3A = tpu.sem_alloc : memref<!tpu.dma_semaphore, #tpu.memory_space<semaphore_mem>>
      %dma_start3A_165 = arith.constant 0 : i32
      %dma_start3A_166 = tpu.memref_slice %arg3[%mul3A_84, %dma_start3A_165] : memref<128x128xi32, #tpu.memory_space<hbm>> -> memref<4x128xi32, #tpu.memory_space<hbm>>
      %dma_start3A_167 = arith.constant 0 : i32
      %dma_start3A_168 = tpu.memref_slice %arg3[%mul3A_84, %dma_start3A_167] : memref<128x128xi32, #tpu.memory_space<hbm>> -> memref<4x128xi32, #tpu.memory_space<hbm>>
      tpu.enqueue_dma source(%dma_start3A_168 : memref<4x128xi32, #tpu.memory_space<hbm>>) target(%arg7 : memref<4x128xi32, #tpu.memory_space<vmem>>) target_semaphore(%run_scoped3A : memref<!tpu.dma_semaphore, #tpu.memory_space<semaphore_mem>>)
      %dma_wait3A_169 = arith.constant 0 : i32
      %dma_wait3A_170 = tpu.memref_slice %arg3[%mul3A_84, %dma_wait3A_169] : memref<128x128xi32, #tpu.memory_space<hbm>> -> memref<4x128xi32, #tpu.memory_space<hbm>>
      %dma_wait3A_171 = arith.constant 0 : i32
      %dma_wait3A_172 = tpu.memref_slice %arg3[%mul3A_84, %dma_wait3A_171] : memref<128x128xi32, #tpu.memory_space<hbm>> -> memref<4x128xi32, #tpu.memory_space<hbm>>
      tpu.wait_dma2 semaphore(%run_scoped3A : memref<!tpu.dma_semaphore, #tpu.memory_space<semaphore_mem>>) src(%dma_wait3A_172 : memref<4x128xi32, #tpu.memory_space<hbm>>) dst(%arg7 : memref<4x128xi32, #tpu.memory_space<vmem>>)
      tpu.yield
    }) : () -> ()
    %dma_start3A_85 = arith.constant 0 : i32
    %dma_start3A_86 = arith.constant 0 : i32
    %dma_start3A_87 = arith.constant 0 : i32
    %dma_start3A_88 = tpu.memref_slice %arg8[%dma_start3A_86, %dma_start3A_87] : memref<512x128xf32, #tpu.memory_space<vmem>> -> memref<128x128xf32, #tpu.memory_space<vmem>>
    %dma_start3A_89 = arith.constant 0 : i32
    %dma_start3A_90 = tpu.memref_slice %arg7[%dma_start3A_85, %dma_start3A_89] : memref<4x128xi32, #tpu.memory_space<vmem>> -> memref<1x128xi32, #tpu.memory_space<vmem>>
    %dma_start3A_91 = tpu.memref_squeeze %dma_start3A_90 : memref<1x128xi32, #tpu.memory_space<vmem>> -> memref<128xi32, #tpu.memory_space<vmem>>
    %dma_start3A_92 = arith.constant 0 : i32
    %dma_start3A_93 = arith.constant 0 : i32
    %dma_start3A_94 = tpu.memref_slice %arg5[%dma_start3A_92, %dma_start3A_93] : memref<100000x128xf32, #tpu.memory_space<hbm>> -> memref<100000x128xf32, #tpu.memory_space<hbm>>
    tpu.enqueue_indirect_dma source(%dma_start3A_94 : memref<100000x128xf32, #tpu.memory_space<hbm>>) target(%dma_start3A_88 : memref<128x128xf32, #tpu.memory_space<vmem>>) offsets(%dma_start3A_91 : memref<128xi32, #tpu.memory_space<vmem>>) semaphore(%arg9 : memref<!tpu.dma_semaphore, #tpu.memory_space<semaphore_mem>>)
    %dma_start3A_95 = arith.constant 1 : i32
    %dma_start3A_96 = arith.constant 128 : i32
    %dma_start3A_97 = arith.constant 0 : i32
    %dma_start3A_98 = tpu.memref_slice %arg8[%dma_start3A_96, %dma_start3A_97] : memref<512x128xf32, #tpu.memory_space<vmem>> -> memref<128x128xf32, #tpu.memory_space<vmem>>
    %dma_start3A_99 = arith.constant 0 : i32
    %dma_start3A_100 = tpu.memref_slice %arg7[%dma_start3A_95, %dma_start3A_99] : memref<4x128xi32, #tpu.memory_space<vmem>> -> memref<1x128xi32, #tpu.memory_space<vmem>>
    %dma_start3A_101 = tpu.memref_squeeze %dma_start3A_100 : memref<1x128xi32, #tpu.memory_space<vmem>> -> memref<128xi32, #tpu.memory_space<vmem>>
    %dma_start3A_102 = arith.constant 0 : i32
    %dma_start3A_103 = arith.constant 0 : i32
    %dma_start3A_104 = tpu.memref_slice %arg5[%dma_start3A_102, %dma_start3A_103] : memref<100000x128xf32, #tpu.memory_space<hbm>> -> memref<100000x128xf32, #tpu.memory_space<hbm>>
    tpu.enqueue_indirect_dma source(%dma_start3A_104 : memref<100000x128xf32, #tpu.memory_space<hbm>>) target(%dma_start3A_98 : memref<128x128xf32, #tpu.memory_space<vmem>>) offsets(%dma_start3A_101 : memref<128xi32, #tpu.memory_space<vmem>>) semaphore(%arg9 : memref<!tpu.dma_semaphore, #tpu.memory_space<semaphore_mem>>)
    %dma_start3A_105 = arith.constant 2 : i32
    %dma_start3A_106 = arith.constant 256 : i32
    %dma_start3A_107 = arith.constant 0 : i32
    %dma_start3A_108 = tpu.memref_slice %arg8[%dma_start3A_106, %dma_start3A_107] : memref<512x128xf32, #tpu.memory_space<vmem>> -> memref<128x128xf32, #tpu.memory_space<vmem>>
    %dma_start3A_109 = arith.constant 0 : i32
    %dma_start3A_110 = tpu.memref_slice %arg7[%dma_start3A_105, %dma_start3A_109] : memref<4x128xi32, #tpu.memory_space<vmem>> -> memref<1x128xi32, #tpu.memory_space<vmem>>
    %dma_start3A_111 = tpu.memref_squeeze %dma_start3A_110 : memref<1x128xi32, #tpu.memory_space<vmem>> -> memref<128xi32, #tpu.memory_space<vmem>>
    %dma_start3A_112 = arith.constant 0 : i32
    %dma_start3A_113 = arith.constant 0 : i32
    %dma_start3A_114 = tpu.memref_slice %arg5[%dma_start3A_112, %dma_start3A_113] : memref<100000x128xf32, #tpu.memory_space<hbm>> -> memref<100000x128xf32, #tpu.memory_space<hbm>>
    tpu.enqueue_indirect_dma source(%dma_start3A_114 : memref<100000x128xf32, #tpu.memory_space<hbm>>) target(%dma_start3A_108 : memref<128x128xf32, #tpu.memory_space<vmem>>) offsets(%dma_start3A_111 : memref<128xi32, #tpu.memory_space<vmem>>) semaphore(%arg9 : memref<!tpu.dma_semaphore, #tpu.memory_space<semaphore_mem>>)
    %dma_start3A_115 = arith.constant 3 : i32
    %dma_start3A_116 = arith.constant 384 : i32
    %dma_start3A_117 = arith.constant 0 : i32
    %dma_start3A_118 = tpu.memref_slice %arg8[%dma_start3A_116, %dma_start3A_117] : memref<512x128xf32, #tpu.memory_space<vmem>> -> memref<128x128xf32, #tpu.memory_space<vmem>>
    %dma_start3A_119 = arith.constant 0 : i32
    %dma_start3A_120 = tpu.memref_slice %arg7[%dma_start3A_115, %dma_start3A_119] : memref<4x128xi32, #tpu.memory_space<vmem>> -> memref<1x128xi32, #tpu.memory_space<vmem>>
    %dma_start3A_121 = tpu.memref_squeeze %dma_start3A_120 : memref<1x128xi32, #tpu.memory_space<vmem>> -> memref<128xi32, #tpu.memory_space<vmem>>
    %dma_start3A_122 = arith.constant 0 : i32
    %dma_start3A_123 = arith.constant 0 : i32
    %dma_start3A_124 = tpu.memref_slice %arg5[%dma_start3A_122, %dma_start3A_123] : memref<100000x128xf32, #tpu.memory_space<hbm>> -> memref<100000x128xf32, #tpu.memory_space<hbm>>
    tpu.enqueue_indirect_dma source(%dma_start3A_124 : memref<100000x128xf32, #tpu.memory_space<hbm>>) target(%dma_start3A_118 : memref<128x128xf32, #tpu.memory_space<vmem>>) offsets(%dma_start3A_121 : memref<128xi32, #tpu.memory_space<vmem>>) semaphore(%arg9 : memref<!tpu.dma_semaphore, #tpu.memory_space<semaphore_mem>>)
    %dma_wait3A_125 = arith.constant 0 : i32
    %dma_wait3A_126 = arith.constant 0 : i32
    %dma_wait3A_127 = arith.constant 0 : i32
    %dma_wait3A_128 = tpu.memref_slice %arg8[%dma_wait3A_126, %dma_wait3A_127] : memref<512x128xf32, #tpu.memory_space<vmem>> -> memref<128x128xf32, #tpu.memory_space<vmem>>
    %dma_wait3A_129 = arith.constant 0 : i32
    %dma_wait3A_130 = tpu.memref_slice %arg7[%dma_wait3A_125, %dma_wait3A_129] : memref<4x128xi32, #tpu.memory_space<vmem>> -> memref<1x128xi32, #tpu.memory_space<vmem>>
    %dma_wait3A_131 = tpu.memref_squeeze %dma_wait3A_130 : memref<1x128xi32, #tpu.memory_space<vmem>> -> memref<128xi32, #tpu.memory_space<vmem>>
    %dma_wait3A_132 = arith.constant 0 : i32
    %dma_wait3A_133 = arith.constant 0 : i32
    %dma_wait3A_134 = tpu.memref_slice %arg5[%dma_wait3A_132, %dma_wait3A_133] : memref<100000x128xf32, #tpu.memory_space<hbm>> -> memref<100000x128xf32, #tpu.memory_space<hbm>>
    tpu.wait_indirect_dma semaphore(%arg9 : memref<!tpu.dma_semaphore, #tpu.memory_space<semaphore_mem>>) src(%dma_wait3A_134 : memref<100000x128xf32, #tpu.memory_space<hbm>>) dst(%dma_wait3A_128 : memref<128x128xf32, #tpu.memory_space<vmem>>)
    %dma_wait3A_135 = arith.constant 1 : i32
    %dma_wait3A_136 = arith.constant 128 : i32
    %dma_wait3A_137 = arith.constant 0 : i32
    %dma_wait3A_138 = tpu.memref_slice %arg8[%dma_wait3A_136, %dma_wait3A_137] : memref<512x128xf32, #tpu.memory_space<vmem>> -> memref<128x128xf32, #tpu.memory_space<vmem>>
    %dma_wait3A_139 = arith.constant 0 : i32
    %dma_wait3A_140 = tpu.memref_slice %arg7[%dma_wait3A_135, %dma_wait3A_139] : memref<4x128xi32, #tpu.memory_space<vmem>> -> memref<1x128xi32, #tpu.memory_space<vmem>>
    %dma_wait3A_141 = tpu.memref_squeeze %dma_wait3A_140 : memref<1x128xi32, #tpu.memory_space<vmem>> -> memref<128xi32, #tpu.memory_space<vmem>>
    %dma_wait3A_142 = arith.constant 0 : i32
    %dma_wait3A_143 = arith.constant 0 : i32
    %dma_wait3A_144 = tpu.memref_slice %arg5[%dma_wait3A_142, %dma_wait3A_143] : memref<100000x128xf32, #tpu.memory_space<hbm>> -> memref<100000x128xf32, #tpu.memory_space<hbm>>
    tpu.wait_indirect_dma semaphore(%arg9 : memref<!tpu.dma_semaphore, #tpu.memory_space<semaphore_mem>>) src(%dma_wait3A_144 : memref<100000x128xf32, #tpu.memory_space<hbm>>) dst(%dma_wait3A_138 : memref<128x128xf32, #tpu.memory_space<vmem>>)
    %dma_wait3A_145 = arith.constant 2 : i32
    %dma_wait3A_146 = arith.constant 256 : i32
    %dma_wait3A_147 = arith.constant 0 : i32
    %dma_wait3A_148 = tpu.memref_slice %arg8[%dma_wait3A_146, %dma_wait3A_147] : memref<512x128xf32, #tpu.memory_space<vmem>> -> memref<128x128xf32, #tpu.memory_space<vmem>>
    %dma_wait3A_149 = arith.constant 0 : i32
    %dma_wait3A_150 = tpu.memref_slice %arg7[%dma_wait3A_145, %dma_wait3A_149] : memref<4x128xi32, #tpu.memory_space<vmem>> -> memref<1x128xi32, #tpu.memory_space<vmem>>
    %dma_wait3A_151 = tpu.memref_squeeze %dma_wait3A_150 : memref<1x128xi32, #tpu.memory_space<vmem>> -> memref<128xi32, #tpu.memory_space<vmem>>
    %dma_wait3A_152 = arith.constant 0 : i32
    %dma_wait3A_153 = arith.constant 0 : i32
    %dma_wait3A_154 = tpu.memref_slice %arg5[%dma_wait3A_152, %dma_wait3A_153] : memref<100000x128xf32, #tpu.memory_space<hbm>> -> memref<100000x128xf32, #tpu.memory_space<hbm>>
    tpu.wait_indirect_dma semaphore(%arg9 : memref<!tpu.dma_semaphore, #tpu.memory_space<semaphore_mem>>) src(%dma_wait3A_154 : memref<100000x128xf32, #tpu.memory_space<hbm>>) dst(%dma_wait3A_148 : memref<128x128xf32, #tpu.memory_space<vmem>>)
    %dma_wait3A_155 = arith.constant 3 : i32
    %dma_wait3A_156 = arith.constant 384 : i32
    %dma_wait3A_157 = arith.constant 0 : i32
    %dma_wait3A_158 = tpu.memref_slice %arg8[%dma_wait3A_156, %dma_wait3A_157] : memref<512x128xf32, #tpu.memory_space<vmem>> -> memref<128x128xf32, #tpu.memory_space<vmem>>
    %dma_wait3A_159 = arith.constant 0 : i32
    %dma_wait3A_160 = tpu.memref_slice %arg7[%dma_wait3A_155, %dma_wait3A_159] : memref<4x128xi32, #tpu.memory_space<vmem>> -> memref<1x128xi32, #tpu.memory_space<vmem>>
    %dma_wait3A_161 = tpu.memref_squeeze %dma_wait3A_160 : memref<1x128xi32, #tpu.memory_space<vmem>> -> memref<128xi32, #tpu.memory_space<vmem>>
    %dma_wait3A_162 = arith.constant 0 : i32
    %dma_wait3A_163 = arith.constant 0 : i32
    %dma_wait3A_164 = tpu.memref_slice %arg5[%dma_wait3A_162, %dma_wait3A_163] : memref<100000x128xf32, #tpu.memory_space<hbm>> -> memref<100000x128xf32, #tpu.memory_space<hbm>>
    tpu.wait_indirect_dma semaphore(%arg9 : memref<!tpu.dma_semaphore, #tpu.memory_space<semaphore_mem>>) src(%dma_wait3A_164 : memref<100000x128xf32, #tpu.memory_space<hbm>>) dst(%dma_wait3A_158 : memref<128x128xf32, #tpu.memory_space<vmem>>)
    "tpu.region"() ({
      %run_scoped3A = tpu.sem_alloc : memref<!tpu.dma_semaphore, #tpu.memory_space<semaphore_mem>>
      %dma_start3A_165 = arith.constant 128 : i32
      %dma_start3A_166 = tpu.memref_slice %arg6[%mul3A_2, %dma_start3A_165] : memref<16384x256xf32, #tpu.memory_space<hbm>> -> memref<512x128xf32, #tpu.memory_space<hbm>>
      %dma_start3A_167 = arith.constant 128 : i32
      %dma_start3A_168 = tpu.memref_slice %arg6[%mul3A_2, %dma_start3A_167] : memref<16384x256xf32, #tpu.memory_space<hbm>> -> memref<512x128xf32, #tpu.memory_space<hbm>>
      tpu.enqueue_dma source(%arg8 : memref<512x128xf32, #tpu.memory_space<vmem>>) target(%dma_start3A_168 : memref<512x128xf32, #tpu.memory_space<hbm>>) target_semaphore(%run_scoped3A : memref<!tpu.dma_semaphore, #tpu.memory_space<semaphore_mem>>)
      %dma_wait3A_169 = arith.constant 128 : i32
      %dma_wait3A_170 = tpu.memref_slice %arg6[%mul3A_2, %dma_wait3A_169] : memref<16384x256xf32, #tpu.memory_space<hbm>> -> memref<512x128xf32, #tpu.memory_space<hbm>>
      %dma_wait3A_171 = arith.constant 128 : i32
      %dma_wait3A_172 = tpu.memref_slice %arg6[%mul3A_2, %dma_wait3A_171] : memref<16384x256xf32, #tpu.memory_space<hbm>> -> memref<512x128xf32, #tpu.memory_space<hbm>>
      tpu.wait_dma2 semaphore(%run_scoped3A : memref<!tpu.dma_semaphore, #tpu.memory_space<semaphore_mem>>) src(%arg8 : memref<512x128xf32, #tpu.memory_space<vmem>>) dst(%dma_wait3A_172 : memref<512x128xf32, #tpu.memory_space<hbm>>)
      tpu.yield
    }) : () -> ()
    return
  }
}

module attributes {stable_mosaic.version = 14 : i64} {
  func.func @_genre_body(%arg0: i32, %arg1: memref<4096x5xi32, #tpu.memory_space<vmem>>, %arg2: memref<24x32xf32, #tpu.memory_space<vmem>>, %arg3: memref<1x32xf32, #tpu.memory_space<vmem>>, %arg4: memref<4096x32xbf16, #tpu.memory_space<vmem>>) attributes {dimension_semantics = [#tpu.dimension_semantics<arbitrary>], iteration_bounds = array<i64: 4>, scalar_prefetch = 0 : i64, scratch_operands = 0 : i64, tpu.core_type = #tpu.core_type<tc>, window_params = [{transform_indices = @transform_0, window_bounds = array<i64: 4096, 5>}, {pipeline_mode = #tpu.pipeline_mode<synchronous>, transform_indices = @transform_1, window_bounds = array<i64: 24, 32>}, {pipeline_mode = #tpu.pipeline_mode<synchronous>, transform_indices = @transform_2, window_bounds = array<i64: 1, 32>}, {transform_indices = @transform_3, window_bounds = array<i64: 4096, 32>}]} {
    %get3A = arith.constant 0 : index
    %get3A_0 = arith.constant 0 : index
    %get3A_1 = vector.load %arg2[%get3A, %get3A_0] : memref<24x32xf32, #tpu.memory_space<vmem>>, vector<24x32xf32>
    %get3A_2 = arith.constant 0 : index
    %get3A_3 = arith.constant 0 : index
    %get3A_4 = vector.load %arg3[%get3A_2, %get3A_3] : memref<1x32xf32, #tpu.memory_space<vmem>>, vector<1x32xf32>
    %dot_general3A = arith.constant dense<0.000000e+00> : vector<1x24xf32>
    %dot_general3A_5 = tpu.matmul %get3A_4, %get3A_1, %dot_general3A {dimension_numbers = #tpu.dot_dimension_numbers<[1], [1], [0], [0], [0, 0, 1, 0], [], []>, transpose_lhs_hint = false} : vector<1x32xf32>, vector<24x32xf32>, vector<1x24xf32> -> vector<1x24xf32>
    %concatenate3A = tpu.concatenate %dot_general3A_5, %dot_general3A_5, %dot_general3A_5, %dot_general3A_5, %dot_general3A_5 in 1 : vector<1x24xf32>, vector<1x24xf32>, vector<1x24xf32>, vector<1x24xf32>, vector<1x24xf32> -> vector<1x120xf32>
    %iota3A = tpu.iota {dimensions = array<i32: 0>} : vector<5x120xi32>
    %iota3A_6 = tpu.iota {dimensions = array<i32: 1>} : vector<5x120xi32>
    %jit3A = arith.constant 24 : i32
    %div3A = vector.broadcast %jit3A : i32 to vector<5x120xi32>
    %div3A_7 = arith.divsi %iota3A_6, %div3A : vector<5x120xi32>
    %sign3A = arith.constant 0 : i32
    %sign3A_8 = vector.broadcast %sign3A : i32 to vector<5x120xi32>
    %sign3A_9 = arith.cmpi sgt, %iota3A_6, %sign3A_8 : vector<5x120xi32>
    %sign3A_10 = arith.extui %sign3A_9 : vector<5x120xi1> to vector<5x120xi32>
    %sign3A_11 = arith.constant 0 : i32
    %sign3A_12 = vector.broadcast %sign3A_11 : i32 to vector<5x120xi32>
    %sign3A_13 = arith.cmpi slt, %iota3A_6, %sign3A_12 : vector<5x120xi32>
    %sign3A_14 = arith.extui %sign3A_13 : vector<5x120xi1> to vector<5x120xi32>
    %sign3A_15 = arith.subi %sign3A_10, %sign3A_14 : vector<5x120xi32>
    %sign3A_16 = arith.constant 0 : i32
    %sign3A_17 = arith.cmpi sgt, %jit3A, %sign3A_16 : i32
    %sign3A_18 = arith.extui %sign3A_17 : i1 to i32
    %sign3A_19 = arith.constant 0 : i32
    %sign3A_20 = arith.cmpi slt, %jit3A, %sign3A_19 : i32
    %sign3A_21 = arith.extui %sign3A_20 : i1 to i32
    %sign3A_22 = arith.subi %sign3A_18, %sign3A_21 : i32
    %ne3A = vector.broadcast %sign3A_22 : i32 to vector<5x120xi32>
    %ne3A_23 = arith.cmpi ne, %sign3A_15, %ne3A : vector<5x120xi32>
    %rem3A = vector.broadcast %jit3A : i32 to vector<5x120xi32>
    %rem3A_24 = arith.remsi %iota3A_6, %rem3A : vector<5x120xi32>
    %ne3A_25 = arith.constant 0 : i32
    %ne3A_26 = vector.broadcast %ne3A_25 : i32 to vector<5x120xi32>
    %ne3A_27 = arith.cmpi ne, %rem3A_24, %ne3A_26 : vector<5x120xi32>
    %and3A = arith.andi %ne3A_23, %ne3A_27 : vector<5x120xi1>
    %sub3A = arith.constant 1 : i32
    %sub3A_28 = vector.broadcast %sub3A : i32 to vector<5x120xi32>
    %sub3A_29 = arith.subi %div3A_7, %sub3A_28 : vector<5x120xi32>
    %select_n3A = arith.select %and3A, %sub3A_29, %div3A_7 : vector<5x120xi1>, vector<5x120xi32>
    %eq3A = arith.cmpi eq, %iota3A, %select_n3A : vector<5x120xi32>
    %convert_element_type3A = arith.extui %eq3A : vector<5x120xi1> to vector<5x120xi32>
    %convert_element_type3A_30 = arith.sitofp %convert_element_type3A : vector<5x120xi32> to vector<5x120xf32>
    %convert_element_type3A_31 = arith.truncf %convert_element_type3A_30 : vector<5x120xf32> to vector<5x120xbf16>
    %get3A_32 = arith.constant 0 : index
    %get3A_33 = arith.constant 0 : index
    %get3A_34 = vector.load %arg1[%get3A_32, %get3A_33] : memref<4096x5xi32, #tpu.memory_space<vmem>>, vector<4096x5xi32>
    %convert_element_type3A_35 = arith.sitofp %get3A_34 : vector<4096x5xi32> to vector<4096x5xbf16>
    %dot_general3A_36 = arith.constant dense<0.000000e+00> : vector<4096x120xf32>
    %dot_general3A_37 = tpu.matmul %convert_element_type3A_35, %convert_element_type3A_31, %dot_general3A_36 {dimension_numbers = #tpu.dot_dimension_numbers<[1], [0], [0], [1], [0, 0, 1, 1], [], []>, transpose_lhs_hint = false} : vector<4096x5xbf16>, vector<5x120xbf16>, vector<4096x120xf32> -> vector<4096x120xf32>
    %iota3A_38 = tpu.iota {dimensions = array<i32: 1>} : vector<4096x120xi32>
    %jit3A_39 = arith.constant 24 : i32
    %eq3A_40 = arith.constant 0 : i32
    %eq3A_41 = arith.cmpi eq, %jit3A_39, %eq3A_40 : i32
    %jit3A_42 = arith.constant 1 : i32
    %select_n3A_43 = arith.select %eq3A_41, %jit3A_42, %jit3A_39 : i32
    %rem3A_44 = vector.broadcast %select_n3A_43 : i32 to vector<4096x120xi32>
    %rem3A_45 = arith.remsi %iota3A_38, %rem3A_44 : vector<4096x120xi32>
    %ne3A_46 = arith.constant 0 : i32
    %ne3A_47 = vector.broadcast %ne3A_46 : i32 to vector<4096x120xi32>
    %ne3A_48 = arith.cmpi ne, %rem3A_45, %ne3A_47 : vector<4096x120xi32>
    %lt3A = arith.constant 0 : i32
    %lt3A_49 = vector.broadcast %lt3A : i32 to vector<4096x120xi32>
    %lt3A_50 = arith.cmpi slt, %rem3A_45, %lt3A_49 : vector<4096x120xi32>
    %lt3A_51 = arith.constant 0 : i32
    %lt3A_52 = arith.cmpi slt, %select_n3A_43, %lt3A_51 : i32
    %ne3A_53 = vector.broadcast %lt3A_52 : i1 to vector<4096x120xi1>
    %ne3A_54 = vector.broadcast %ne3A_53 : vector<4096x120xi1> to vector<4096x120xi1>
    %ne3A_55 = arith.xori %lt3A_50, %ne3A_54 : vector<4096x120xi1>
    %and3A_56 = arith.andi %ne3A_55, %ne3A_48 : vector<4096x120xi1>
    %add3A = vector.broadcast %select_n3A_43 : i32 to vector<4096x120xi32>
    %add3A_57 = arith.addi %rem3A_45, %add3A : vector<4096x120xi32>
    %select_n3A_58 = arith.select %and3A_56, %add3A_57, %rem3A_45 : vector<4096x120xi1>, vector<4096x120xi32>
    %convert_element_type3A_59 = arith.sitofp %select_n3A_58 : vector<4096x120xi32> to vector<4096x120xf32>
    %eq3A_60 = arith.cmpf oeq, %dot_general3A_37, %convert_element_type3A_59 : vector<4096x120xf32>
    %jit3A_61 = arith.constant 0.000000e+00 : f32
    %broadcast_in_dim3A = vector.shape_cast %concatenate3A : vector<1x120xf32> to vector<1x120xf32>
    %broadcast_in_dim3A_62 = vector.broadcast %broadcast_in_dim3A : vector<1x120xf32> to vector<4096x120xf32>
    %broadcast_in_dim3A_63 = vector.broadcast %jit3A_61 : f32 to vector<4096x120xf32>
    %select_n3A_64 = arith.select %eq3A_60, %broadcast_in_dim3A_62, %broadcast_in_dim3A_63 : vector<4096x120xi1>, vector<4096x120xf32>
    %convert_element_type3A_65 = arith.truncf %select_n3A_64 : vector<4096x120xf32> to vector<4096x120xbf16>
    %dot_general3A_66 = arith.constant dense<0.000000e+00> : vector<4096x5xf32>
    %dot_general3A_67 = tpu.matmul %convert_element_type3A_65, %convert_element_type3A_31, %dot_general3A_66 {dimension_numbers = #tpu.dot_dimension_numbers<[1], [1], [0], [0], [0, 0, 1, 0], [], []>, transpose_lhs_hint = false} : vector<4096x120xbf16>, vector<5x120xbf16>, vector<4096x5xf32> -> vector<4096x5xf32>
    %reduce_max3A = arith.constant dense<0xFF800000> : vector<4096xf32>
    %reduce_max3A_68 = vector.multi_reduction <maximumf>, %dot_general3A_67, %reduce_max3A [1] : vector<4096x5xf32> to vector<4096xf32>
    %broadcast_in_dim3A_69 = vector.shape_cast %reduce_max3A_68 : vector<4096xf32> to vector<4096x1xf32>
    %sub3A_70 = vector.broadcast %broadcast_in_dim3A_69 : vector<4096x1xf32> to vector<4096x5xf32>
    %sub3A_71 = arith.subf %dot_general3A_67, %sub3A_70 : vector<4096x5xf32>
    %exp3A = math.exp %sub3A_71 : vector<4096x5xf32>
    %reduce_sum3A = arith.constant dense<0.000000e+00> : vector<4096xf32>
    %reduce_sum3A_72 = vector.multi_reduction <add>, %exp3A, %reduce_sum3A [1] : vector<4096x5xf32> to vector<4096xf32>
    %broadcast_in_dim3A_73 = vector.shape_cast %reduce_sum3A_72 : vector<4096xf32> to vector<4096x1xf32>
    %div3A_74 = vector.broadcast %broadcast_in_dim3A_73 : vector<4096x1xf32> to vector<4096x5xf32>
    %div3A_75 = arith.divf %exp3A, %div3A_74 : vector<4096x5xf32>
    %convert_element_type3A_76 = arith.truncf %div3A_75 : vector<4096x5xf32> to vector<4096x5xbf16>
    %dot_general3A_77 = arith.constant dense<0.000000e+00> : vector<4096x120xf32>
    %dot_general3A_78 = tpu.matmul %convert_element_type3A_76, %convert_element_type3A_31, %dot_general3A_77 {dimension_numbers = #tpu.dot_dimension_numbers<[1], [0], [0], [1], [0, 0, 1, 1], [], []>, transpose_lhs_hint = false} : vector<4096x5xbf16>, vector<5x120xbf16>, vector<4096x120xf32> -> vector<4096x120xf32>
    %jit3A_79 = arith.constant 0.000000e+00 : f32
    %broadcast_in_dim3A_80 = vector.broadcast %jit3A_79 : f32 to vector<4096x120xf32>
    %select_n3A_81 = arith.select %eq3A_60, %dot_general3A_78, %broadcast_in_dim3A_80 : vector<4096x120xi1>, vector<4096x120xf32>
    %concatenate3A_82 = tpu.concatenate %get3A_1, %get3A_1, %get3A_1, %get3A_1, %get3A_1 in 0 : vector<24x32xf32>, vector<24x32xf32>, vector<24x32xf32>, vector<24x32xf32>, vector<24x32xf32> -> vector<120x32xf32>
    %convert_element_type3A_83 = arith.truncf %concatenate3A_82 : vector<120x32xf32> to vector<120x32xbf16>
    %convert_element_type3A_84 = arith.truncf %select_n3A_81 : vector<4096x120xf32> to vector<4096x120xbf16>
    %dot_general3A_85 = arith.constant dense<0.000000e+00> : vector<4096x32xf32>
    %dot_general3A_86 = tpu.matmul %convert_element_type3A_84, %convert_element_type3A_83, %dot_general3A_85 {dimension_numbers = #tpu.dot_dimension_numbers<[1], [0], [0], [1], [0, 0, 1, 1], [], []>, transpose_lhs_hint = false} : vector<4096x120xbf16>, vector<120x32xbf16>, vector<4096x32xf32> -> vector<4096x32xf32>
    %convert_element_type3A_87 = arith.truncf %dot_general3A_86 : vector<4096x32xf32> to vector<4096x32xbf16>
    %swap3A = arith.constant 0 : index
    %swap3A_88 = arith.constant 0 : index
    %swap3A_89 = vector.load %arg4[%swap3A, %swap3A_88] : memref<4096x32xbf16, #tpu.memory_space<vmem>>, vector<4096x32xbf16>
    tpu.vector_store %arg4[%swap3A, %swap3A_88], %convert_element_type3A_87 {strides = array<i32>} : memref<4096x32xbf16, #tpu.memory_space<vmem>>, vector<4096x32xbf16>,
    return
  }
  func.func @transform_0(%arg0: i32) -> (i32, i32) {
    %c0_i32 = arith.constant 0 : i32
    %c0_i32_0 = arith.constant 0 : i32
    return %arg0, %c0_i32 : i32, i32
  }
  func.func @transform_1(%arg0: i32) -> (i32, i32) {
    %c0_i32 = arith.constant 0 : i32
    %c0_i32_0 = arith.constant 0 : i32
    %c0_i32_1 = arith.constant 0 : i32
    return %c0_i32, %c0_i32_0 : i32, i32
  }
  func.func @transform_2(%arg0: i32) -> (i32, i32) {
    %c0_i32 = arith.constant 0 : i32
    %c0_i32_0 = arith.constant 0 : i32
    %c0_i32_1 = arith.constant 0 : i32
    return %c0_i32, %c0_i32_0 : i32, i32
  }
  func.func @transform_3(%arg0: i32) -> (i32, i32) {
    %c0_i32 = arith.constant 0 : i32
    %c0_i32_0 = arith.constant 0 : i32
    return %arg0, %c0_i32 : i32, i32
  }
}

module attributes {stable_mosaic.version = 14 : i64} {
  func.func @_mlp_body(%arg0: i32, %arg1: memref<4096x256xf32, #tpu.memory_space<vmem>>, %arg2: memref<4096x32xbf16, #tpu.memory_space<vmem>>, %arg3: memref<256x256xf32, #tpu.memory_space<vmem>>, %arg4: memref<256x32xf32, #tpu.memory_space<vmem>>, %arg5: memref<1x256xf32, #tpu.memory_space<vmem>>, %arg6: memref<1x256xf32, #tpu.memory_space<vmem>>, %arg7: memref<1x256xf32, #tpu.memory_space<vmem>>, %arg8: memref<128x256xf32, #tpu.memory_space<vmem>>, %arg9: memref<1x128xf32, #tpu.memory_space<vmem>>, %arg10: memref<1x128xf32, #tpu.memory_space<vmem>>, %arg11: memref<1x128xf32, #tpu.memory_space<vmem>>, %arg12: memref<64x128xf32, #tpu.memory_space<vmem>>, %arg13: memref<1x64xf32, #tpu.memory_space<vmem>>, %arg14: memref<1x64xf32, #tpu.memory_space<vmem>>, %arg15: memref<1x64xf32, #tpu.memory_space<vmem>>, %arg16: memref<1x64xf32, #tpu.memory_space<vmem>>, %arg17: memref<1x1xf32, #tpu.memory_space<vmem>>, %arg18: memref<1x1x16384xf32, #tpu.memory_space<vmem>>, %arg19: memref<16384x256xf32, #tpu.memory_space<vmem>>, %arg20: memref<1x256xf32, #tpu.memory_space<vmem>>, %arg21: memref<1x256xf32, #tpu.memory_space<vmem>>) attributes {dimension_semantics = [#tpu.dimension_semantics<arbitrary>], iteration_bounds = array<i64: 5>, scalar_prefetch = 0 : i64, scratch_operands = 3 : i64, tpu.core_type = #tpu.core_type<tc>, window_params = [{transform_indices = @transform_0, window_bounds = array<i64: 4096, 256>}, {transform_indices = @transform_1, window_bounds = array<i64: 4096, 32>}, {pipeline_mode = #tpu.pipeline_mode<synchronous>, transform_indices = @transform_2, window_bounds = array<i64: 256, 256>}, {pipeline_mode = #tpu.pipeline_mode<synchronous>, transform_indices = @transform_3, window_bounds = array<i64: 256, 32>}, {pipeline_mode = #tpu.pipeline_mode<synchronous>, transform_indices = @transform_4, window_bounds = array<i64: 1, 256>}, {pipeline_mode = #tpu.pipeline_mode<synchronous>, transform_indices = @transform_5, window_bounds = array<i64: 1, 256>}, {pipeline_mode = #tpu.pipeline_mode<synchronous>, transform_indices = @transform_6, window_bounds = array<i64: 1, 256>}, {pipeline_mode = #tpu.pipeline_mode<synchronous>, transform_indices = @transform_7, window_bounds = array<i64: 128, 256>}, {pipeline_mode = #tpu.pipeline_mode<synchronous>, transform_indices = @transform_8, window_bounds = array<i64: 1, 128>}, {pipeline_mode = #tpu.pipeline_mode<synchronous>, transform_indices = @transform_9, window_bounds = array<i64: 1, 128>}, {pipeline_mode = #tpu.pipeline_mode<synchronous>, transform_indices = @transform_10, window_bounds = array<i64: 1, 128>}, {pipeline_mode = #tpu.pipeline_mode<synchronous>, transform_indices = @transform_11, window_bounds = array<i64: 64, 128>}, {pipeline_mode = #tpu.pipeline_mode<synchronous>, transform_indices = @transform_12, window_bounds = array<i64: 1, 64>}, {pipeline_mode = #tpu.pipeline_mode<synchronous>, transform_indices = @transform_13, window_bounds = array<i64: 1, 64>}, {pipeline_mode = #tpu.pipeline_mode<synchronous>, transform_indices = @transform_14, window_bounds = array<i64: 1, 64>}, {pipeline_mode = #tpu.pipeline_mode<synchronous>, transform_indices = @transform_15, window_bounds = array<i64: 1, 64>}, {pipeline_mode = #tpu.pipeline_mode<synchronous>, transform_indices = @transform_16, window_bounds = array<i64: 1, 1>}, {pipeline_mode = #tpu.pipeline_mode<synchronous>, transform_indices = @transform_17, window_bounds = array<i64: 1, 1, 16384>}]} {
    %lt3A = arith.constant 4 : i32
    %lt3A_0 = arith.cmpi slt, %arg0, %lt3A : i32
    %convert_element_type3A = arith.extui %lt3A_0 : i1 to i32
    %cond3A = arith.constant 0 : i32
    %cond3A_1 = arith.cmpi ne, %convert_element_type3A, %cond3A : i32
    scf.if %cond3A_1 {
      %mul3A = arith.constant 4096 : i32
      %mul3A_6 = arith.muli %arg0, %mul3A : i32
      %multiple_of3A = tpu.assume_multiple %mul3A_6, 4096 : i32
      %get3A = arith.constant 0 : index
      %get3A_7 = arith.constant 0 : index
      %get3A_8 = vector.load %arg1[%get3A, %get3A_7] : memref<4096x256xf32, #tpu.memory_space<vmem>>, vector<4096x256xf32>
      %convert_element_type3A_9 = arith.truncf %get3A_8 : vector<4096x256xf32> to vector<4096x256xbf16>
      %get3A_10 = arith.constant 0 : index
      %get3A_11 = arith.constant 0 : index
      %get3A_12 = vector.load %arg3[%get3A_10, %get3A_11] : memref<256x256xf32, #tpu.memory_space<vmem>>, vector<256x256xf32>
      %convert_element_type3A_13 = arith.truncf %get3A_12 : vector<256x256xf32> to vector<256x256xbf16>
      %dot_general3A = arith.constant dense<0.000000e+00> : vector<4096x256xf32>
      %dot_general3A_14 = tpu.matmul %convert_element_type3A_9, %convert_element_type3A_13, %dot_general3A {dimension_numbers = #tpu.dot_dimension_numbers<[1], [1], [0], [0], [0, 0, 1, 0], [], []>, transpose_lhs_hint = false} : vector<4096x256xbf16>, vector<256x256xbf16>, vector<4096x256xf32> -> vector<4096x256xf32>
      %get3A_15 = arith.constant 0 : index
      %get3A_16 = arith.constant 0 : index
      %get3A_17 = vector.load %arg2[%get3A_15, %get3A_16] : memref<4096x32xbf16, #tpu.memory_space<vmem>>, vector<4096x32xbf16>
      %get3A_18 = arith.constant 0 : index
      %get3A_19 = arith.constant 0 : index
      %get3A_20 = vector.load %arg4[%get3A_18, %get3A_19] : memref<256x32xf32, #tpu.memory_space<vmem>>, vector<256x32xf32>
      %convert_element_type3A_21 = arith.truncf %get3A_20 : vector<256x32xf32> to vector<256x32xbf16>
      %dot_general3A_22 = arith.constant dense<0.000000e+00> : vector<4096x256xf32>
      %dot_general3A_23 = tpu.matmul %get3A_17, %convert_element_type3A_21, %dot_general3A_22 {dimension_numbers = #tpu.dot_dimension_numbers<[1], [1], [0], [0], [0, 0, 1, 0], [], []>, transpose_lhs_hint = false} : vector<4096x32xbf16>, vector<256x32xbf16>, vector<4096x256xf32> -> vector<4096x256xf32>
      %add3A = arith.addf %dot_general3A_14, %dot_general3A_23 : vector<4096x256xf32>
      %get3A_24 = arith.constant 0 : index
      %get3A_25 = arith.constant 0 : index
      %get3A_26 = vector.load %arg5[%get3A_24, %get3A_25] : memref<1x256xf32, #tpu.memory_space<vmem>>, vector<1x256xf32>
      %add3A_27 = vector.broadcast %get3A_26 : vector<1x256xf32> to vector<4096x256xf32>
      %add3A_28 = arith.addf %add3A, %add3A_27 : vector<4096x256xf32>
      %swap3A = arith.index_cast %multiple_of3A : i32 to index
      %swap3A_29 = arith.constant 0 : index
      %swap3A_30 = vector.load %arg19[%swap3A, %swap3A_29] : memref<16384x256xf32, #tpu.memory_space<vmem>>, vector<4096x256xf32>
      tpu.vector_store %arg19[%swap3A, %swap3A_29], %add3A_28 {strides = array<i32>} : memref<16384x256xf32, #tpu.memory_space<vmem>>, vector<4096x256xf32>,
      %eq3A_31 = arith.constant 0 : i32
      %eq3A_32 = arith.cmpi eq, %arg0, %eq3A_31 : i32
      %convert_element_type3A_33 = arith.extui %eq3A_32 : i1 to i32
      %cond3A_34 = arith.constant 0 : i32
      %cond3A_35 = arith.cmpi ne, %convert_element_type3A_33, %cond3A_34 : i32
      scf.if %cond3A_35 {
        %broadcast_in_dim3A_55 = arith.constant 0.000000e+00 : f32
        %broadcast_in_dim3A_56 = vector.broadcast %broadcast_in_dim3A_55 : f32 to vector<1x256xf32>
        %swap3A_57 = arith.constant 0 : index
        %swap3A_58 = arith.constant 0 : index
        %swap3A_59 = vector.load %arg20[%swap3A_57, %swap3A_58] : memref<1x256xf32, #tpu.memory_space<vmem>>, vector<1x256xf32>
        tpu.vector_store %arg20[%swap3A_57, %swap3A_58], %broadcast_in_dim3A_56 {strides = array<i32>} : memref<1x256xf32, #tpu.memory_space<vmem>>, vector<1x256xf32>,
        %broadcast_in_dim3A_60 = arith.constant 0.000000e+00 : f32
        %broadcast_in_dim3A_61 = vector.broadcast %broadcast_in_dim3A_60 : f32 to vector<1x256xf32>
        %swap3A_62 = arith.constant 0 : index
        %swap3A_63 = arith.constant 0 : index
        %swap3A_64 = vector.load %arg21[%swap3A_62, %swap3A_63] : memref<1x256xf32, #tpu.memory_space<vmem>>, vector<1x256xf32>
        tpu.vector_store %arg21[%swap3A_62, %swap3A_63], %broadcast_in_dim3A_61 {strides = array<i32>} : memref<1x256xf32, #tpu.memory_space<vmem>>, vector<1x256xf32>,
      } else {
      }
      %get3A_36 = arith.constant 0 : index
      %get3A_37 = arith.constant 0 : index
      %get3A_38 = vector.load %arg20[%get3A_36, %get3A_37] : memref<1x256xf32, #tpu.memory_space<vmem>>, vector<1x256xf32>
      %reduce_sum3A = arith.constant dense<0.000000e+00> : vector<256xf32>
      %reduce_sum3A_39 = vector.multi_reduction <add>, %add3A_28, %reduce_sum3A [0] : vector<4096x256xf32> to vector<256xf32>
      %broadcast_in_dim3A = vector.shape_cast %reduce_sum3A_39 : vector<256xf32> to vector<1x256xf32>
      %add3A_40 = arith.addf %get3A_38, %broadcast_in_dim3A : vector<1x256xf32>
      %swap3A_41 = arith.constant 0 : index
      %swap3A_42 = arith.constant 0 : index
      %swap3A_43 = vector.load %arg20[%swap3A_41, %swap3A_42] : memref<1x256xf32, #tpu.memory_space<vmem>>, vector<1x256xf32>
      tpu.vector_store %arg20[%swap3A_41, %swap3A_42], %add3A_40 {strides = array<i32>} : memref<1x256xf32, #tpu.memory_space<vmem>>, vector<1x256xf32>,
      %get3A_44 = arith.constant 0 : index
      %get3A_45 = arith.constant 0 : index
      %get3A_46 = vector.load %arg21[%get3A_44, %get3A_45] : memref<1x256xf32, #tpu.memory_space<vmem>>, vector<1x256xf32>
      %mul3A_47 = arith.mulf %add3A_28, %add3A_28 : vector<4096x256xf32>
      %reduce_sum3A_48 = arith.constant dense<0.000000e+00> : vector<256xf32>
      %reduce_sum3A_49 = vector.multi_reduction <add>, %mul3A_47, %reduce_sum3A_48 [0] : vector<4096x256xf32> to vector<256xf32>
      %broadcast_in_dim3A_50 = vector.shape_cast %reduce_sum3A_49 : vector<256xf32> to vector<1x256xf32>
      %add3A_51 = arith.addf %get3A_46, %broadcast_in_dim3A_50 : vector<1x256xf32>
      %swap3A_52 = arith.constant 0 : index
      %swap3A_53 = arith.constant 0 : index
      %swap3A_54 = vector.load %arg21[%swap3A_52, %swap3A_53] : memref<1x256xf32, #tpu.memory_space<vmem>>, vector<1x256xf32>
      tpu.vector_store %arg21[%swap3A_52, %swap3A_53], %add3A_51 {strides = array<i32>} : memref<1x256xf32, #tpu.memory_space<vmem>>, vector<1x256xf32>,
    } else {
    }
    %eq3A = arith.constant 4 : i32
    %eq3A_2 = arith.cmpi eq, %arg0, %eq3A : i32
    %convert_element_type3A_3 = arith.extui %eq3A_2 : i1 to i32
    %cond3A_4 = arith.constant 0 : i32
    %cond3A_5 = arith.cmpi ne, %convert_element_type3A_3, %cond3A_4 : i32
    scf.if %cond3A_5 {
      %get3A = arith.constant 0 : index
      %get3A_6 = arith.constant 0 : index
      %get3A_7 = vector.load %arg19[%get3A, %get3A_6] : memref<16384x256xf32, #tpu.memory_space<vmem>>, vector<16384x256xf32>
      %get3A_8 = arith.constant 0 : index
      %get3A_9 = arith.constant 0 : index
      %get3A_10 = vector.load %arg20[%get3A_8, %get3A_9] : memref<1x256xf32, #tpu.memory_space<vmem>>, vector<1x256xf32>
      %get3A_11 = arith.constant 0 : index
      %get3A_12 = arith.constant 0 : index
      %get3A_13 = vector.load %arg21[%get3A_11, %get3A_12] : memref<1x256xf32, #tpu.memory_space<vmem>>, vector<1x256xf32>
      %div3A = arith.constant 1.638400e+04 : f32
      %div3A_14 = vector.broadcast %div3A : f32 to vector<1x256xf32>
      %div3A_15 = arith.divf %get3A_10, %div3A_14 : vector<1x256xf32>
      %div3A_16 = arith.constant 1.638400e+04 : f32
      %div3A_17 = vector.broadcast %div3A_16 : f32 to vector<1x256xf32>
      %div3A_18 = arith.divf %get3A_13, %div3A_17 : vector<1x256xf32>
      %mul3A = arith.mulf %div3A_15, %div3A_15 : vector<1x256xf32>
      %sub3A = arith.subf %div3A_18, %mul3A : vector<1x256xf32>
      %add3A = arith.constant 9.99999974E-6 : f32
      %add3A_19 = vector.broadcast %add3A : f32 to vector<1x256xf32>
      %add3A_20 = arith.addf %sub3A, %add3A_19 : vector<1x256xf32>
      %rsqrt3A = math.rsqrt %add3A_20 : vector<1x256xf32>
      %get3A_21 = arith.constant 0 : index
      %get3A_22 = arith.constant 0 : index
      %get3A_23 = vector.load %arg6[%get3A_21, %get3A_22] : memref<1x256xf32, #tpu.memory_space<vmem>>, vector<1x256xf32>
      %mul3A_24 = arith.mulf %rsqrt3A, %get3A_23 : vector<1x256xf32>
      %get3A_25 = arith.constant 0 : index
      %get3A_26 = arith.constant 0 : index
      %get3A_27 = vector.load %arg7[%get3A_25, %get3A_26] : memref<1x256xf32, #tpu.memory_space<vmem>>, vector<1x256xf32>
      %mul3A_28 = arith.mulf %div3A_15, %mul3A_24 : vector<1x256xf32>
      %sub3A_29 = arith.subf %get3A_27, %mul3A_28 : vector<1x256xf32>
      %mul3A_30 = vector.broadcast %mul3A_24 : vector<1x256xf32> to vector<16384x256xf32>
      %mul3A_31 = arith.mulf %get3A_7, %mul3A_30 : vector<16384x256xf32>
      %add3A_32 = vector.broadcast %sub3A_29 : vector<1x256xf32> to vector<16384x256xf32>
      %add3A_33 = arith.addf %mul3A_31, %add3A_32 : vector<16384x256xf32>
      %max3A = arith.constant 0.000000e+00 : f32
      %max3A_34 = vector.broadcast %max3A : f32 to vector<16384x256xf32>
      %max3A_35 = arith.maximumf %add3A_33, %max3A_34 : vector<16384x256xf32>
      %convert_element_type3A_36 = arith.truncf %max3A_35 : vector<16384x256xf32> to vector<16384x256xbf16>
      %get3A_37 = arith.constant 0 : index
      %get3A_38 = arith.constant 0 : index
      %get3A_39 = vector.load %arg8[%get3A_37, %get3A_38] : memref<128x256xf32, #tpu.memory_space<vmem>>, vector<128x256xf32>
      %convert_element_type3A_40 = arith.truncf %get3A_39 : vector<128x256xf32> to vector<128x256xbf16>
      %dot_general3A = arith.constant dense<0.000000e+00> : vector<16384x128xf32>
      %dot_general3A_41 = tpu.matmul %convert_element_type3A_36, %convert_element_type3A_40, %dot_general3A {dimension_numbers = #tpu.dot_dimension_numbers<[1], [1], [0], [0], [0, 0, 1, 0], [], []>, transpose_lhs_hint = false} : vector<16384x256xbf16>, vector<128x256xbf16>, vector<16384x128xf32> -> vector<16384x128xf32>
      %get3A_42 = arith.constant 0 : index
      %get3A_43 = arith.constant 0 : index
      %get3A_44 = vector.load %arg9[%get3A_42, %get3A_43] : memref<1x128xf32, #tpu.memory_space<vmem>>, vector<1x128xf32>
      %add3A_45 = vector.broadcast %get3A_44 : vector<1x128xf32> to vector<16384x128xf32>
      %add3A_46 = arith.addf %dot_general3A_41, %add3A_45 : vector<16384x128xf32>
      %reduce_sum3A = arith.constant dense<0.000000e+00> : vector<128xf32>
      %reduce_sum3A_47 = vector.multi_reduction <add>, %add3A_46, %reduce_sum3A [0] : vector<16384x128xf32> to vector<128xf32>
      %broadcast_in_dim3A = vector.shape_cast %reduce_sum3A_47 : vector<128xf32> to vector<1x128xf32>
      %mul3A_48 = arith.mulf %add3A_46, %add3A_46 : vector<16384x128xf32>
      %reduce_sum3A_49 = arith.constant dense<0.000000e+00> : vector<128xf32>
      %reduce_sum3A_50 = vector.multi_reduction <add>, %mul3A_48, %reduce_sum3A_49 [0] : vector<16384x128xf32> to vector<128xf32>
      %broadcast_in_dim3A_51 = vector.shape_cast %reduce_sum3A_50 : vector<128xf32> to vector<1x128xf32>
      %div3A_52 = arith.constant 1.638400e+04 : f32
      %div3A_53 = vector.broadcast %div3A_52 : f32 to vector<1x128xf32>
      %div3A_54 = arith.divf %broadcast_in_dim3A, %div3A_53 : vector<1x128xf32>
      %div3A_55 = arith.constant 1.638400e+04 : f32
      %div3A_56 = vector.broadcast %div3A_55 : f32 to vector<1x128xf32>
      %div3A_57 = arith.divf %broadcast_in_dim3A_51, %div3A_56 : vector<1x128xf32>
      %mul3A_58 = arith.mulf %div3A_54, %div3A_54 : vector<1x128xf32>
      %sub3A_59 = arith.subf %div3A_57, %mul3A_58 : vector<1x128xf32>
      %add3A_60 = arith.constant 9.99999974E-6 : f32
      %add3A_61 = vector.broadcast %add3A_60 : f32 to vector<1x128xf32>
      %add3A_62 = arith.addf %sub3A_59, %add3A_61 : vector<1x128xf32>
      %rsqrt3A_63 = math.rsqrt %add3A_62 : vector<1x128xf32>
      %get3A_64 = arith.constant 0 : index
      %get3A_65 = arith.constant 0 : index
      %get3A_66 = vector.load %arg10[%get3A_64, %get3A_65] : memref<1x128xf32, #tpu.memory_space<vmem>>, vector<1x128xf32>
      %mul3A_67 = arith.mulf %rsqrt3A_63, %get3A_66 : vector<1x128xf32>
      %get3A_68 = arith.constant 0 : index
      %get3A_69 = arith.constant 0 : index
      %get3A_70 = vector.load %arg11[%get3A_68, %get3A_69] : memref<1x128xf32, #tpu.memory_space<vmem>>, vector<1x128xf32>
      %mul3A_71 = arith.mulf %div3A_54, %mul3A_67 : vector<1x128xf32>
      %sub3A_72 = arith.subf %get3A_70, %mul3A_71 : vector<1x128xf32>
      %mul3A_73 = vector.broadcast %mul3A_67 : vector<1x128xf32> to vector<16384x128xf32>
      %mul3A_74 = arith.mulf %add3A_46, %mul3A_73 : vector<16384x128xf32>
      %add3A_75 = vector.broadcast %sub3A_72 : vector<1x128xf32> to vector<16384x128xf32>
      %add3A_76 = arith.addf %mul3A_74, %add3A_75 : vector<16384x128xf32>
      %max3A_77 = arith.constant 0.000000e+00 : f32
      %max3A_78 = vector.broadcast %max3A_77 : f32 to vector<16384x128xf32>
      %max3A_79 = arith.maximumf %add3A_76, %max3A_78 : vector<16384x128xf32>
      %convert_element_type3A_80 = arith.truncf %max3A_79 : vector<16384x128xf32> to vector<16384x128xbf16>
      %get3A_81 = arith.constant 0 : index
      %get3A_82 = arith.constant 0 : index
      %get3A_83 = vector.load %arg12[%get3A_81, %get3A_82] : memref<64x128xf32, #tpu.memory_space<vmem>>, vector<64x128xf32>
      %convert_element_type3A_84 = arith.truncf %get3A_83 : vector<64x128xf32> to vector<64x128xbf16>
      %dot_general3A_85 = arith.constant dense<0.000000e+00> : vector<16384x64xf32>
      %dot_general3A_86 = tpu.matmul %convert_element_type3A_80, %convert_element_type3A_84, %dot_general3A_85 {dimension_numbers = #tpu.dot_dimension_numbers<[1], [1], [0], [0], [0, 0, 1, 0], [], []>, transpose_lhs_hint = false} : vector<16384x128xbf16>, vector<64x128xbf16>, vector<16384x64xf32> -> vector<16384x64xf32>
      %get3A_87 = arith.constant 0 : index
      %get3A_88 = arith.constant 0 : index
      %get3A_89 = vector.load %arg13[%get3A_87, %get3A_88] : memref<1x64xf32, #tpu.memory_space<vmem>>, vector<1x64xf32>
      %add3A_90 = vector.broadcast %get3A_89 : vector<1x64xf32> to vector<16384x64xf32>
      %add3A_91 = arith.addf %dot_general3A_86, %add3A_90 : vector<16384x64xf32>
      %reduce_sum3A_92 = arith.constant dense<0.000000e+00> : vector<64xf32>
      %reduce_sum3A_93 = vector.multi_reduction <add>, %add3A_91, %reduce_sum3A_92 [0] : vector<16384x64xf32> to vector<64xf32>
      %broadcast_in_dim3A_94 = vector.shape_cast %reduce_sum3A_93 : vector<64xf32> to vector<1x64xf32>
      %mul3A_95 = arith.mulf %add3A_91, %add3A_91 : vector<16384x64xf32>
      %reduce_sum3A_96 = arith.constant dense<0.000000e+00> : vector<64xf32>
      %reduce_sum3A_97 = vector.multi_reduction <add>, %mul3A_95, %reduce_sum3A_96 [0] : vector<16384x64xf32> to vector<64xf32>
      %broadcast_in_dim3A_98 = vector.shape_cast %reduce_sum3A_97 : vector<64xf32> to vector<1x64xf32>
      %div3A_99 = arith.constant 1.638400e+04 : f32
      %div3A_100 = vector.broadcast %div3A_99 : f32 to vector<1x64xf32>
      %div3A_101 = arith.divf %broadcast_in_dim3A_94, %div3A_100 : vector<1x64xf32>
      %div3A_102 = arith.constant 1.638400e+04 : f32
      %div3A_103 = vector.broadcast %div3A_102 : f32 to vector<1x64xf32>
      %div3A_104 = arith.divf %broadcast_in_dim3A_98, %div3A_103 : vector<1x64xf32>
      %mul3A_105 = arith.mulf %div3A_101, %div3A_101 : vector<1x64xf32>
      %sub3A_106 = arith.subf %div3A_104, %mul3A_105 : vector<1x64xf32>
      %add3A_107 = arith.constant 9.99999974E-6 : f32
      %add3A_108 = vector.broadcast %add3A_107 : f32 to vector<1x64xf32>
      %add3A_109 = arith.addf %sub3A_106, %add3A_108 : vector<1x64xf32>
      %rsqrt3A_110 = math.rsqrt %add3A_109 : vector<1x64xf32>
      %get3A_111 = arith.constant 0 : index
      %get3A_112 = arith.constant 0 : index
      %get3A_113 = vector.load %arg14[%get3A_111, %get3A_112] : memref<1x64xf32, #tpu.memory_space<vmem>>, vector<1x64xf32>
      %mul3A_114 = arith.mulf %rsqrt3A_110, %get3A_113 : vector<1x64xf32>
      %get3A_115 = arith.constant 0 : index
      %get3A_116 = arith.constant 0 : index
      %get3A_117 = vector.load %arg15[%get3A_115, %get3A_116] : memref<1x64xf32, #tpu.memory_space<vmem>>, vector<1x64xf32>
      %mul3A_118 = arith.mulf %div3A_101, %mul3A_114 : vector<1x64xf32>
      %sub3A_119 = arith.subf %get3A_117, %mul3A_118 : vector<1x64xf32>
      %mul3A_120 = vector.broadcast %mul3A_114 : vector<1x64xf32> to vector<16384x64xf32>
      %mul3A_121 = arith.mulf %add3A_91, %mul3A_120 : vector<16384x64xf32>
      %add3A_122 = vector.broadcast %sub3A_119 : vector<1x64xf32> to vector<16384x64xf32>
      %add3A_123 = arith.addf %mul3A_121, %add3A_122 : vector<16384x64xf32>
      %max3A_124 = arith.constant 0.000000e+00 : f32
      %max3A_125 = vector.broadcast %max3A_124 : f32 to vector<16384x64xf32>
      %max3A_126 = arith.maximumf %add3A_123, %max3A_125 : vector<16384x64xf32>
      %get3A_127 = arith.constant 0 : index
      %get3A_128 = arith.constant 0 : index
      %get3A_129 = vector.load %arg16[%get3A_127, %get3A_128] : memref<1x64xf32, #tpu.memory_space<vmem>>, vector<1x64xf32>
      %convert_element_type3A_130 = arith.truncf %get3A_129 : vector<1x64xf32> to vector<1x64xbf16>
      %convert_element_type3A_131 = arith.truncf %max3A_126 : vector<16384x64xf32> to vector<16384x64xbf16>
      %dot_general3A_132 = arith.constant dense<0.000000e+00> : vector<1x16384xf32>
      %dot_general3A_133 = tpu.matmul %convert_element_type3A_130, %convert_element_type3A_131, %dot_general3A_132 {dimension_numbers = #tpu.dot_dimension_numbers<[1], [1], [0], [0], [0, 0, 1, 0], [], []>, transpose_lhs_hint = false} : vector<1x64xbf16>, vector<16384x64xbf16>, vector<1x16384xf32> -> vector<1x16384xf32>
      %get3A_134 = arith.constant 0 : index
      %get3A_135 = arith.constant 0 : index
      %get3A_136 = vector.load %arg17[%get3A_134, %get3A_135] : memref<1x1xf32, #tpu.memory_space<vmem>>, vector<1x1xf32>
      %get3A_137 = vector.extract %get3A_136[0, 0] : f32 from vector<1x1xf32>
      %add3A_138 = vector.broadcast %get3A_137 : f32 to vector<1x16384xf32>
      %add3A_139 = arith.addf %dot_general3A_133, %add3A_138 : vector<1x16384xf32>
      %logistic3A = arith.negf %add3A_139 : vector<1x16384xf32>
      %logistic3A_140 = math.exp %logistic3A : vector<1x16384xf32>
      %logistic3A_141 = arith.constant 1.000000e+00 : f32
      %logistic3A_142 = vector.broadcast %logistic3A_141 : f32 to vector<1x16384xf32>
      %logistic3A_143 = arith.addf %logistic3A_142, %logistic3A_140 : vector<1x16384xf32>
      %logistic3A_144 = arith.divf %logistic3A_142, %logistic3A_143 : vector<1x16384xf32>
      %mul3A_145 = arith.constant 5.000000e+00 : f32
      %mul3A_146 = vector.broadcast %mul3A_145 : f32 to vector<1x16384xf32>
      %mul3A_147 = arith.mulf %logistic3A_144, %mul3A_146 : vector<1x16384xf32>
      %reshape3A = vector.shape_cast %mul3A_147 : vector<1x16384xf32> to vector<1x1x16384xf32>
      %swap3A = arith.constant 0 : index
      %swap3A_148 = arith.constant 0 : index
      %swap3A_149 = arith.constant 0 : index
      %swap3A_150 = vector.load %arg18[%swap3A, %swap3A_148, %swap3A_149] : memref<1x1x16384xf32, #tpu.memory_space<vmem>>, vector<1x1x16384xf32>
      tpu.vector_store %arg18[%swap3A, %swap3A_148, %swap3A_149], %reshape3A {strides = array<i32>} : memref<1x1x16384xf32, #tpu.memory_space<vmem>>, vector<1x1x16384xf32>,
    } else {
    }
    return
  }
  func.func @transform_0(%arg0: i32) -> (i32, i32) {
    %min3A = arith.constant 3 : i32
    %min3A_0 = arith.minsi %arg0, %min3A : i32
    %c0_i32 = arith.constant 0 : i32
    %c0_i32_1 = arith.constant 0 : i32
    return %min3A_0, %c0_i32 : i32, i32
  }
  func.func @transform_1(%arg0: i32) -> (i32, i32) {
    %min3A = arith.constant 3 : i32
    %min3A_0 = arith.minsi %arg0, %min3A : i32
    %c0_i32 = arith.constant 0 : i32
    %c0_i32_1 = arith.constant 0 : i32
    return %min3A_0, %c0_i32 : i32, i32
  }
  func.func @transform_2(%arg0: i32) -> (i32, i32) {
    %c0_i32 = arith.constant 0 : i32
    %c0_i32_0 = arith.constant 0 : i32
    %c0_i32_1 = arith.constant 0 : i32
    return %c0_i32, %c0_i32_0 : i32, i32
  }
  func.func @transform_3(%arg0: i32) -> (i32, i32) {
    %c0_i32 = arith.constant 0 : i32
    %c0_i32_0 = arith.constant 0 : i32
    %c0_i32_1 = arith.constant 0 : i32
    return %c0_i32, %c0_i32_0 : i32, i32
  }
  func.func @transform_4(%arg0: i32) -> (i32, i32) {
    %c0_i32 = arith.constant 0 : i32
    %c0_i32_0 = arith.constant 0 : i32
    %c0_i32_1 = arith.constant 0 : i32
    return %c0_i32, %c0_i32_0 : i32, i32
  }
  func.func @transform_5(%arg0: i32) -> (i32, i32) {
    %c0_i32 = arith.constant 0 : i32
    %c0_i32_0 = arith.constant 0 : i32
    %c0_i32_1 = arith.constant 0 : i32
    return %c0_i32, %c0_i32_0 : i32, i32
  }
  func.func @transform_6(%arg0: i32) -> (i32, i32) {
    %c0_i32 = arith.constant 0 : i32
    %c0_i32_0 = arith.constant 0 : i32
    %c0_i32_1 = arith.constant 0 : i32
    return %c0_i32, %c0_i32_0 : i32, i32
  }
  func.func @transform_7(%arg0: i32) -> (i32, i32) {
    %c0_i32 = arith.constant 0 : i32
    %c0_i32_0 = arith.constant 0 : i32
    %c0_i32_1 = arith.constant 0 : i32
    return %c0_i32, %c0_i32_0 : i32, i32
  }
  func.func @transform_8(%arg0: i32) -> (i32, i32) {
    %c0_i32 = arith.constant 0 : i32
    %c0_i32_0 = arith.constant 0 : i32
    %c0_i32_1 = arith.constant 0 : i32
    return %c0_i32, %c0_i32_0 : i32, i32
  }
  func.func @transform_9(%arg0: i32) -> (i32, i32) {
    %c0_i32 = arith.constant 0 : i32
    %c0_i32_0 = arith.constant 0 : i32
    %c0_i32_1 = arith.constant 0 : i32
    return %c0_i32, %c0_i32_0 : i32, i32
  }
  func.func @transform_10(%arg0: i32) -> (i32, i32) {
    %c0_i32 = arith.constant 0 : i32
    %c0_i32_0 = arith.constant 0 : i32
    %c0_i32_1 = arith.constant 0 : i32
    return %c0_i32, %c0_i32_0 : i32, i32
  }
  func.func @transform_11(%arg0: i32) -> (i32, i32) {
    %c0_i32 = arith.constant 0 : i32
    %c0_i32_0 = arith.constant 0 : i32
    %c0_i32_1 = arith.constant 0 : i32
    return %c0_i32, %c0_i32_0 : i32, i32
  }
  func.func @transform_12(%arg0: i32) -> (i32, i32) {
    %c0_i32 = arith.constant 0 : i32
    %c0_i32_0 = arith.constant 0 : i32
    %c0_i32_1 = arith.constant 0 : i32
    return %c0_i32, %c0_i32_0 : i32, i32
  }
  func.func @transform_13(%arg0: i32) -> (i32, i32) {
    %c0_i32 = arith.constant 0 : i32
    %c0_i32_0 = arith.constant 0 : i32
    %c0_i32_1 = arith.constant 0 : i32
    return %c0_i32, %c0_i32_0 : i32, i32
  }
  func.func @transform_14(%arg0: i32) -> (i32, i32) {
    %c0_i32 = arith.constant 0 : i32
    %c0_i32_0 = arith.constant 0 : i32
    %c0_i32_1 = arith.constant 0 : i32
    return %c0_i32, %c0_i32_0 : i32, i32
  }
  func.func @transform_15(%arg0: i32) -> (i32, i32) {
    %c0_i32 = arith.constant 0 : i32
    %c0_i32_0 = arith.constant 0 : i32
    %c0_i32_1 = arith.constant 0 : i32
    return %c0_i32, %c0_i32_0 : i32, i32
  }
  func.func @transform_16(%arg0: i32) -> (i32, i32) {
    %c0_i32 = arith.constant 0 : i32
    %c0_i32_0 = arith.constant 0 : i32
    %c0_i32_1 = arith.constant 0 : i32
    return %c0_i32, %c0_i32_0 : i32, i32
  }
  func.func @transform_17(%arg0: i32) -> (i32, i32, i32) {
    %c0_i32 = arith.constant 0 : i32
    %c0_i32_0 = arith.constant 0 : i32
    %c0_i32_1 = arith.constant 0 : i32
    %c0_i32_2 = arith.constant 0 : i32
    return %c0_i32, %c0_i32_0, %c0_i32_1 : i32, i32, i32
  }
}

</mosaic_0001>

<sc_bundles>
// kernel: kernel.5.cloned.1.call-start
scs
__scs_entry_jumppad:
0x0: {  	(pc) =	sbr.rel $0x88, $3  }
0x1: {  	(tag) =	ssettag $0x0;
	lr =	simm.s32 $0x1  }
0x2: {  	[smem:$0x3F8C] =	sst lr;
	_ =	strace $0xD0000000  }
0x3: {  	_ = 	snop  }
0x4: {  	_ = 	snop  }
0x5: {  	_ = 	snop  }
0x6: {  	_ = 	snop  }
0x7: {  	_ = 	snop  }
__scs_overlays_trampoline_lowered:
0x8: {  	[smem:$0x3F9B] =	sst s0  }
0x9: {  	[smem:$0x3F9C] =	sst s1  }
0xa: {  	[smem:$0x3F9D] =	sst s2  }
0xb: {  	[smem:$0x3F9E] =	sst s3  }
0xc: {  	[smem:$0x3F9F] =	sst s4  }
0xd: {  	[smem:$0x3FA0] =	sst s5  }
0xe: {  	[smem:$0x3FA1] =	sst s6  }
0xf: {  	[smem:$0x3FA2] =	sst s7  }
0x10: {  	[smem:$0x3FA3] =	sst s8  }
0x11: {  	[smem:$0x3FA4] =	sst s9;
	s0 =	simm.s32 @!p0 $0x0  }
0x12: {  	s1 =	sld [smem:$0x3F8A];
	s0 =	simm.s32 @p0 $0x1  }
0x13: {  	[smem:$0x3FA5] =	sst s0;
	s0 =	simm.s32 @!p1 $0x0  }
0x14: {  	s2 =	sld [smem:$0x3F89];
	s0 =	simm.s32 @p1 $0x1  }
0x15: {  	[smem:$0x3FA6] =	sst s0;
	s0 =	simm.s32 @!p2 $0x0  }
0x16: {  	s3 =	sld [smem:$0x3FDB];
	s0 =	simm.s32 @p2 $0x1  }
0x17: {  	s4 =	simm.s32 $0x1BF5;
	[smem:$0x3FA8] =	sst s0  }
0x18: {  	s0 =	sld [smem:$0x3F8B];
	_ =	swait.ge [sflag:s4], $0x0  }
0x19: {  	s7 =	sld [smem:$0x3F8C]  }
0x1a: {  	s8 =	sadd.s32 $0xFFFFE003, lr  }
0x1b: {  	s9 =	sadd.s32 $0xFFFFFEF7, lr;
	s5 =	simm.s32 $0xFFFFFFFF;
	p2 =	slt.u32 s8, $0xFFFFF086  }
0x1c: {  	p1 =	slt.u32 s9, $0xF7A;
	s5 =	simm.s32 @!p2 $0x0  }
0x1d: {  	s5 =	simm.s32 @p1 $0x1;
	p0 =	seq.s32 s7, s2  }
0x1e: {  	s7 =	smul.u32 @!p0 $0xF7A, s2;
	p2 =	seq.s32 @!p0 s5, $0x0  }
0x1f: {  	s9 =	smul.u32 $0xF7A, s1;
	s8 =	simm.s32 @!p0 $0x1BF5;
	p2 =	por !p2, p0  }
0x20: {  	[sflag:s8] =	ssyncset.s32 @!p0 $0xFFFFF086;
	s6 =	sadd.s32 @!p0 s3, s7;
	s7 =	simm.s32 @!p0 $0x108  }
0x21: {  	s3 =	sadd.s32 s3, s9;
	s6 =	sadd.s32 @!p0 $0x88, s6;
	s7 =	simm.s32 @p2 $0x1082  }
0x22: {  	[simem:s7], [sflag:s8] =	dma.local @!p0 [hbm:s6], $0xF7A  }
0x23: {  	s9 =	sor.u32 $0xD0000000, s2;
	s6 =	simm.s32 $0x108;
	_ =	swait.ge @!p0 [sflag:s8], $0x0  }
0x24: {  	s3 =	sadd.s32 $0x88, s3;
	s6 =	simm.s32 @!p1 $0x1082;
	[sflag:s4] =	ssyncset.s32 $0xFFFFF086  }
0x25: {  	[simem:s6], [sflag:s4] =	dma.local [hbm:s3], $0xF7A  }
0x26: {  	[smem:$0x3F8C] =	sst s1;
	(tag) =	ssettag s2;
	_ =	strace s9  }
0x27: {  	s1 =	sld [smem:$0x3F9C]  }
0x28: {  	s2 =	sld [smem:$0x3F9D]  }
0x29: {  	s4 =	sld [smem:$0x3F9F]  }
0x2a: {  	p0 =	seq.s32 s5, $0x0;
	s5 =	sld [smem:$0x3FA0]  }
0x2b: {  	s6 =	sld [smem:$0x3FA1]  }
0x2c: {  	s7 =	sld [smem:$0x3FA2]  }
0x2d: {  	s3 =	simm.s32 $0x108;
	s8 =	sld [smem:$0x3FA3]  }
0x2e: {  	s3 =	simm.s32 @!p0 $0x1082;
	s9 =	sld [smem:$0x3FA4]  }
0x2f: {  	lr =	sadd.s32 s0, s3;
	s0 =	sld [smem:$0x3F9B]  }
0x30: {  	s3 =	sld [smem:$0x3F9E]  }
0x31: {  	[smem:$0x3FA7] =	sst s10  }
0x32: {  	s10 =	sld [smem:$0x3FA5];
	_ =	sdelay $0x3  }
0x33: {  	p0 =	seq.s32 s10, $0x1;
	s10 =	sld [smem:$0x3FA7];
	_ =	sdelay $0x3  }
0x34: {  	[smem:$0x3FA7] =	sst s10  }
0x35: {  	s10 =	sld [smem:$0x3FA6];
	_ =	sdelay $0x3  }
0x36: {  	p1 =	seq.s32 s10, $0x1;
	s10 =	sld [smem:$0x3FA7];
	_ =	sdelay $0x3  }
0x37: {  	[smem:$0x3FA7] =	sst s10  }
0x38: {  	s10 =	sld [smem:$0x3FA8]  }
0x39: {  	_ = 	snop;
	(pc) =	sbr.ind lr, $3  }
0x3a: {  	_ = 	snop  }
0x3b: {  	_ = 	snop  }
0x3c: {  	p2 =	seq.s32 s10, $0x1;
	s10 =	sld [smem:$0x3FA7]  }
0x3d: {  	_ =	shalt  }
0x3e: {  	_ =	shalt  }
0x3f: {  	_ =	shalt  }
0x40: {  	_ =	shalt  }
0x41: {  	_ =	shalt  }
0x42: {  	_ =	shalt  }
0x43: {  	_ =	shalt  }
0x44: {  	_ =	shalt  }
0x45: {  	_ =	shalt  }
0x46: {  	_ =	shalt  }
0x47: {  	_ =	shalt  }
0x48: {  	_ =	shalt  }
0x49: {  	_ =	shalt  }
0x4a: {  	_ =	shalt  }
0x4b: {  	_ =	shalt  }
0x4c: {  	_ =	shalt  }
0x4d: {  	_ =	shalt  }
0x4e: {  	_ =	shalt  }
0x4f: {  	_ =	shalt  }
0x50: {  	_ =	shalt  }
0x51: {  	_ =	shalt  }
0x52: {  	_ =	shalt  }
0x53: {  	_ =	shalt  }
0x54: {  	_ =	shalt  }
0x55: {  	_ =	shalt  }
0x56: {  	_ =	shalt  }
0x57: {  	_ =	shalt  }
0x58: {  	_ =	shalt  }
0x59: {  	_ =	shalt  }
0x5a: {  	_ =	shalt  }
0x5b: {  	_ =	shalt  }
0x5c: {  	_ =	shalt  }
0x5d: {  	_ =	shalt  }
0x5e: {  	_ =	shalt  }
0x5f: {  	_ =	shalt  }
0x60: {  	_ =	shalt  }
0x61: {  	_ =	shalt  }
0x62: {  	_ =	shalt  }
0x63: {  	_ =	shalt  }
0x64: {  	_ =	shalt  }
0x65: {  	_ =	shalt  }
0x66: {  	_ =	shalt  }
0x67: {  	_ =	shalt  }
0x68: {  	_ =	shalt  }
0x69: {  	_ =	shalt  }
0x6a: {  	_ =	shalt  }
0x6b: {  	_ =	shalt  }
0x6c: {  	_ =	shalt  }
0x6d: {  	_ =	shalt  }
0x6e: {  	_ =	shalt  }
0x6f: {  	_ =	shalt  }
0x70: {  	_ =	shalt  }
0x71: {  	_ =	shalt  }
0x72: {  	_ =	shalt  }
0x73: {  	_ =	shalt  }
0x74: {  	_ =	shalt  }
0x75: {  	_ =	shalt  }
0x76: {  	_ =	shalt  }
0x77: {  	_ =	shalt  }
0x78: {  	_ =	shalt  }
0x79: {  	_ =	shalt  }
0x7a: {  	_ =	shalt  }
0x7b: {  	_ =	shalt  }
0x7c: {  	_ =	shalt  }
0x7d: {  	_ =	shalt  }
0x7e: {  	_ =	shalt  }
0x7f: {  	_ =	shalt  }
0x80: {  	_ =	shalt  }
0x81: {  	_ =	shalt  }
0x82: {  	_ =	shalt  }
0x83: {  	_ =	shalt  }
0x84: {  	_ =	shalt  }
0x85: {  	_ =	shalt  }
0x86: {  	_ =	shalt  }
0x87: {  	_ =	shalt  }
.Lfunc_end0:
.L_simem_size_0:
called_computation_lowered:
.L_overlay_start_0:
0x88: {  	s2 =	sld [smem:$0x3FD9]  }
0x89: {  	s3 =	sld [smem:$0x3FFE];
	_ =	sdelay $0x1  }
0x8a: {  	s1 =	srdreg.scid  }
0x8b: {  	s0 =	sand.u32 $0x1, s1  }
0x8c: {  	s17 =	sshll.u32 s0, $0xA;
	s2 =	sadd.s32 s3, s2  }
0x8d: {  	s2 =	sadd.s32 s2, s17  }
0x8e: {  	[smem:$0x3FB3] =	sst s2  }
0x8f: {  	_ = 	snop  }
0x90: {  	s2 =	sld [smem:$0x3FC9]  }
0x91: {  	s18 =	sld [smem:$0x3FC8]  }
0x92: {  	s4 =	sld [smem:$0x3FC6]  }
0x93: {  	s5 =	sld [smem:$0x3FC5];
	(tm) =	ssettm $0x1  }
0x94: {  	s6 =	sld [smem:$0x3FFB];
	_ =	sdelay $0x3  }
0x95: {  	_ =	strace s6  }
0x96: {  	s6 =	sld [smem:$0x3FFC];
	_ =	sdelay $0x3  }
0x97: {  	_ =	strace s6  }
0x98: {  	s6 =	sld [smem:$0x3FFD];
	_ =	sdelay $0x3  }
0x99: {  	_ =	strace s6  }
0x9a: {  	_ =	strace $0x8FFFFFFF  }
0x9b: {  	s19 =	sld [smem:$0x3FDB];
	_ =	sdelay $0x1  }
0x9c: {  	s7 =	simm.s32 $_scs_section_size  }
0x9d: {  	s8 =	simm.s32 $_size__tile_overlayer_lowered;
	s9 =	simm.s32 $_tile_overlayer_lowered  }
0x9e: {  	s22 =	simm.s32 $0x1BFF;
	s21 =	sshll.u32 s9, $0x1;
	s6 =	sadd.s32 s7, s19  }
0x9f: {  	s10 =	simm.s32 $0x0;
	s20 =	sshll.u32 s8, $0x1;
	s8 =	sadd.s32 s21, s6  }
0xa0: {  	[timem:s10], [sflag:s22] =	dma.local [hbm:s8], s20  }
0xa1: {  	_ =	swait.ge [sflag:s22], s20  }
0xa2: {  	s7 =	ssub.s32 $0x0, s20;
	[sflag:s22] =	ssyncset.done $0x0  }
0xa3: {  	[sflag:s22] =	ssyncadd.s32 s7;
	_ =	sdelay $0x1  }
0xa4: {  	s23 =	simm.s32 $0x1B8B  }
0xa5: {  	_ =	swait.ge [sflag:s23], $0x1  }
0xa6: {  	[sflag:s23] =	ssyncset.done $0x0  }
0xa7: {  	s25 =	simm.s32 $0x1B8E;
	s24 =	sld [smem:$0x3FFE];
	[sflag:s23] =	ssyncadd.s32 $0xFFFFFFFF  }
0xa8: {  	s26 =	simm.s32 $execute0_lowered;
	[smem:$0x3FD2] =	sst s25  }
0xa9: {  	s8 =	sshll.u32 s26, $0x1;
	_ =	strace $0x80000046;
	[dreg:$0x1] =	wrdreg $0xFFFFFFFF  }
0xaa: {  	s28 =	simm.s32 $_size_execute0_lowered;
	s6 =	sadd.s32 s6, s8;
	[dreg:$0x0] =	wrdreg $0x0  }
0xab: {  	s8 =	sshll.u32 s28, $0x1;
	[dreg:$0x2] =	wrdreg s6  }
0xac: {  	[dreg:$0x3] =	wrdreg s8  }
0xad: {  	[dreg:$0x4] =	wrdreg $0xC0  }
0xae: {  	_ =	task [dreg:s10], $0x5FFFF  }
0xaf: {  	[dreg:$0x1] =	wrdreg $0xFFFFFFFF  }
0xb0: {  	[dreg:$0x0] =	wrdreg $0x60  }
0xb1: {  	[dreg:$0x2] =	wrdreg s2  }
0xb2: {  	[dreg:$0x3] =	wrdreg s18  }
0xb3: {  	[dreg:$0x4] =	wrdreg s4  }
0xb4: {  	[dreg:$0x5] =	wrdreg s5  }
0xb5: {  	[dreg:$0x6] =	wrdreg s24  }
0xb6: {  	[dreg:$0x7] =	wrdreg $0x9  }
0xb7: {  	_ =	task.clear_ibuf [dreg:s10], $0x8FFFF;
	_ =	strace $0x90000046  }
0xb8: {  	s29 =	simm.s32 $0x9;
	_ =	strace $0x80000048  }
0xb9: {  	_ =	swait.ge [sflag:s29], $0x1  }
0xba: {  	[sflag:s29] =	ssyncadd.s32 $0xFFFFFFFF  }
0xbb: {  	_ =	strace $0x90000048  }
0xbc: {  	_ =	sfence  }
0xbd: {  	s30 =	sld [smem:$0x0];
	_ =	sdelay $0x2  }
0xbe: {  	s31 =	sshll.u32 s1, $0xD;
	s1 =	sshrl.u32 s1, $0x2  }
0xbf: {  	s3 =	sand.u32 $0x4000, s31;
	s1 =	sadd.s32 s1, s30  }
0xc0: {  	s0 =	sor.u32 s3, s0;
	s1 =	sshll.u32 s1, $0x11  }
0xc1: {  	s0 =	sor.u32 s1, s0  }
0xc2: {  	s0 =	sadd.s32 $0x8F2B, s0  }
0xc3: {  	[sflag:s0] =	ssyncadd.remote.s32 $0x1  }
0xc4: {  	_ =	sfence.sel $0xFFFF  }
0xc5: {  	[dreg:$0x0] =	wrdreg $0xFFFFFFFF;
	(pc) =	sbr.abs _section_cstart, $3  }
0xc6: {  	[dreg:$0x1] =	wrdreg $0xFFFFFFFF  }
0xc7: {  	_ =	task.clear_ibuf [dreg:s10], $0x2FFFF;
	_ =	strace $0x9FFFFFFF  }
0xc8: {  	(tm) =	ssettm $0x7FFFFFFF  }
0xc9: {  	_ =	shalt  }
tec
execute0_lowered:
.L_overlay_start_1:
0x0: {  	(tag) =	ssettag $0x1  }
0x1: {  	s5 =	rddreg [dreg:$0x0]  }
0x2: {  	s18 =	rddreg [dreg:$0x1]  }
0x3: {  	s2 =	rddreg [dreg:$0x2]  }
0x4: {  	s3 =	rddreg [dreg:$0x3]  }
0x5: {  	s15 =	rddreg [dreg:$0x4];
	s4 =	srdreg.scid  }
0x6: {  	s0 =	rddreg [dreg:$0x5];
	s1 =	stileid.u32;
	s19 =	sand.u32 $0x1, s4  }
0x7: {  	s4 =	simm.s32 $0x0;
	s6 =	sshll.u32 s1, $0x7;
	s7 =	sshll.u32 s19, $0x6  }
0x8: {  	[smem:$0x7FF] =	sst s4;
	s20 =	sor.u32 s7, s6  }
0x9: {  	_ =	strace $0x80000047;
	s6 =	sadd.s32 s5, s20;
	s5 =	simm.s32 $0x2  }
0xa: {  	[tilespmem:s4], [sflag:$0x2] =	stream.linear.gather [hbm4b:s6+s4], $0x200, $0x38;
	[tilespmem:$0x10200] =	vst v63  }
0xb: {  	_ =	swait.ge [sflag:s5], $0x200  }
0xc: {  	[sflag:s5] =	ssyncset.done $0x0  }
0xd: {  	s8 =	simm.s32 $0x200;
	s7 =	simm.s32 $0x80;
	[sflag:s5] =	ssyncadd.s32 $0xFFFFFE00  }
0xe: {  	[tilespmem:s8], [sflag:$0x1] =	stream.indirect.gather [hbm4b:s2+s7], $0x80, s4, s7, $0xb8;
	[tilespmem:$0x10200] =	vst v63  }
0xf: {  	s9 =	simm.s32 $0x4200  }
0x10: {  	[tilespmem:s9], [sflag:$0x1] =	stream.indirect.gather [hbm4b:s2+s7], $0x80, s7, s7, $0xb8;
	[tilespmem:$0x10200] =	vst v63  }
0x11: {  	s10 =	simm.s32 $0x100;
	s11 =	simm.s32 $0x8200  }
0x12: {  	[tilespmem:s11], [sflag:$0x1] =	stream.indirect.gather [hbm4b:s2+s7], $0x80, s10, s7, $0xb8;
	[tilespmem:$0x10200] =	vst v63  }
0x13: {  	s12 =	simm.s32 $0x180;
	s13 =	simm.s32 $0xC200;
	s14 =	simm.s32 $0x1  }
0x14: {  	[tilespmem:s13], [sflag:$0x1] =	stream.indirect.gather [hbm4b:s2+s7], $0x80, s12, s7, $0xb8;
	[tilespmem:$0x10200] =	vst v63  }
0x15: {  	_ =	swait.ge [sflag:s14], $0x4000  }
0x16: {  	[sflag:s14] =	ssyncset.done $0x0  }
0x17: {  	[sflag:s14] =	ssyncadd.s32 $0xFFFFC000  }
0x18: {  	_ =	swait.ge [sflag:s14], $0x4000  }
0x19: {  	[sflag:s14] =	ssyncset.done $0x0  }
0x1a: {  	[sflag:s14] =	ssyncadd.s32 $0xFFFFC000  }
0x1b: {  	_ =	swait.ge [sflag:s14], $0x4000  }
0x1c: {  	[sflag:s14] =	ssyncset.done $0x0  }
0x1d: {  	s16 =	sshll.u32 s1, $0xF;
	s17 =	sshll.u32 s19, $0xE;
	[sflag:s14] =	ssyncadd.s32 $0xFFFFC000  }
0x1e: {  	s16 =	sor.u32 s17, s16;
	_ =	swait.ge [sflag:s14], $0x4000  }
0x1f: {  	s17 =	simm.s32 $0x800;
	s21 =	sadd.s32 s16, s15;
	[sflag:s14] =	ssyncset.done $0x0  }
0x20: {  	s16 =	simm.s32 $0x400;
	s15 =	sadd.s32 $0x2C00, s21;
	[sflag:s14] =	ssyncadd.s32 $0xFFFFC000  }
0x21: {  	[hbm4b:s15+s16] =	stream.strided.scatter [tilespmem:s8], [sflag:$0x2], $0x10000, s17, s16, $0x38;
	[tilespmem:$0x10200] =	vst v63  }
0x22: {  	_ =	swait.ge [sflag:s5], $0x10000  }
0x23: {  	[sflag:s5] =	ssyncset.done $0x0  }
0x24: {  	s18 =	sadd.s32 s18, s20;
	[sflag:s5] =	ssyncadd.s32 $0xFFFF0000  }
0x25: {  	[tilespmem:s4], [sflag:$0x2] =	stream.linear.gather [hbm4b:s18+s4], $0x200, $0x38;
	[tilespmem:$0x10200] =	vst v63  }
0x26: {  	_ =	swait.ge [sflag:s5], $0x200  }
0x27: {  	[sflag:s5] =	ssyncset.done $0x0  }
0x28: {  	[sflag:s5] =	ssyncadd.s32 $0xFFFFFE00  }
0x29: {  	[tilespmem:s8], [sflag:$0x1] =	stream.indirect.gather [hbm4b:s3+s7], $0x80, s4, s7, $0xb8;
	[tilespmem:$0x10200] =	vst v63  }
0x2a: {  	_ = 	snop  }
0x2b: {  	[tilespmem:s9], [sflag:$0x1] =	stream.indirect.gather [hbm4b:s3+s7], $0x80, s7, s7, $0xb8;
	[tilespmem:$0x10200] =	vst v63  }
0x2c: {  	_ = 	snop  }
0x2d: {  	[tilespmem:s11], [sflag:$0x1] =	stream.indirect.gather [hbm4b:s3+s7], $0x80, s10, s7, $0xb8;
	[tilespmem:$0x10200] =	vst v63  }
0x2e: {  	_ = 	snop  }
0x2f: {  	[tilespmem:s13], [sflag:$0x1] =	stream.indirect.gather [hbm4b:s3+s7], $0x80, s12, s7, $0xb8;
	[tilespmem:$0x10200] =	vst v63  }
0x30: {  	_ =	swait.ge [sflag:s14], $0x4000  }
0x31: {  	[sflag:s14] =	ssyncset.done $0x0  }
0x32: {  	[sflag:s14] =	ssyncadd.s32 $0xFFFFC000  }
0x33: {  	_ =	swait.ge [sflag:s14], $0x4000  }
0x34: {  	[sflag:s14] =	ssyncset.done $0x0  }
0x35: {  	s19 =	ssub.s32 $0x2, s19;
	[sflag:s14] =	ssyncadd.s32 $0xFFFFC000  }
0x36: {  	s31 =	sshrl.u32 s19, $0x1;
	_ =	swait.ge [sflag:s14], $0x4000  }
0x37: {  	s20 =	ssub.s32 s19, s31;
	[sflag:s14] =	ssyncset.done $0x0  }
0x38: {  	s20 =	smax.u32 s20, $0x1;
	[sflag:s14] =	ssyncadd.s32 $0xFFFFC000  }
0x39: {  	p0 =	sne.s32 s20, $0x1;
	_ =	swait.ge [sflag:s14], $0x4000  }
.Ltmp0:
0x3a: {  	[sflag:s14] =	ssyncset.done $0x0;
	(pc) =	sbr.rel @!p0 .LBB2_2-.Ltmp0, $4  }
0x3b: {  	s19 =	sadd.s32 $0x2C80, s21;
	[sflag:s14] =	ssyncadd.s32 $0xFFFFC000  }
0x3c: {  	[hbm4b:s19+s16] =	stream.strided.scatter [tilespmem:s8], [sflag:$0x2], $0x10000, s17, s16, $0x38;
	[tilespmem:$0x10200] =	vst v63  }
0x3d: {  	_ =	swait.ge [sflag:s5], $0x10000  }
0x3e: {  	s20 =	sadd.s32 $0xFFFFFFFF, s20;
	[sflag:s5] =	ssyncset.done $0x0  }
.LBB2_1:
0x3f: {  	p0 =	sne.s32 s20, $0x1;
	s20 =	sadd.s32 $0xFFFFFFFF, s20;
	[sflag:s5] =	ssyncadd.s32 $0xFFFF0000  }
0x40: {  	[tilespmem:s4], [sflag:$0x2] =	stream.linear.gather [hbm4b:s6+s4], $0x200, $0x38;
	[tilespmem:$0x10200] =	vst v63  }
0x41: {  	_ =	swait.ge [sflag:s5], $0x200  }
0x42: {  	[sflag:s5] =	ssyncset.done $0x0  }
0x43: {  	[sflag:s5] =	ssyncadd.s32 $0xFFFFFE00  }
0x44: {  	[tilespmem:s8], [sflag:$0x1] =	stream.indirect.gather [hbm4b:s2+s7], $0x80, s4, s7, $0xb8;
	[tilespmem:$0x10200] =	vst v63  }
0x45: {  	_ = 	snop  }
0x46: {  	[tilespmem:s9], [sflag:$0x1] =	stream.indirect.gather [hbm4b:s2+s7], $0x80, s7, s7, $0xb8;
	[tilespmem:$0x10200] =	vst v63  }
0x47: {  	_ = 	snop  }
0x48: {  	[tilespmem:s11], [sflag:$0x1] =	stream.indirect.gather [hbm4b:s2+s7], $0x80, s10, s7, $0xb8;
	[tilespmem:$0x10200] =	vst v63  }
0x49: {  	_ = 	snop  }
0x4a: {  	[tilespmem:s13], [sflag:$0x1] =	stream.indirect.gather [hbm4b:s2+s7], $0x80, s12, s7, $0xb8;
	[tilespmem:$0x10200] =	vst v63  }
0x4b: {  	_ =	swait.ge [sflag:s14], $0x4000  }
0x4c: {  	[sflag:s14] =	ssyncset.done $0x0  }
0x4d: {  	[sflag:s14] =	ssyncadd.s32 $0xFFFFC000  }
0x4e: {  	_ =	swait.ge [sflag:s14], $0x4000  }
0x4f: {  	[sflag:s14] =	ssyncset.done $0x0  }
0x50: {  	[sflag:s14] =	ssyncadd.s32 $0xFFFFC000  }
0x51: {  	_ =	swait.ge [sflag:s14], $0x4000  }
0x52: {  	[sflag:s14] =	ssyncset.done $0x0  }
0x53: {  	[sflag:s14] =	ssyncadd.s32 $0xFFFFC000  }
0x54: {  	_ =	swait.ge [sflag:s14], $0x4000  }
0x55: {  	[sflag:s14] =	ssyncset.done $0x0  }
0x56: {  	[sflag:s14] =	ssyncadd.s32 $0xFFFFC000  }
0x57: {  	[hbm4b:s15+s16] =	stream.strided.scatter [tilespmem:s8], [sflag:$0x2], $0x10000, s17, s16, $0x38;
	[tilespmem:$0x10200] =	vst v63  }
0x58: {  	_ =	swait.ge [sflag:s5], $0x10000  }
0x59: {  	[sflag:s5] =	ssyncset.done $0x0  }
0x5a: {  	[sflag:s5] =	ssyncadd.s32 $0xFFFF0000  }
0x5b: {  	[tilespmem:s4], [sflag:$0x2] =	stream.linear.gather [hbm4b:s18+s4], $0x200, $0x38;
	[tilespmem:$0x10200] =	vst v63  }
0x5c: {  	_ =	swait.ge [sflag:s5], $0x200  }
0x5d: {  	[sflag:s5] =	ssyncset.done $0x0  }
0x5e: {  	[sflag:s5] =	ssyncadd.s32 $0xFFFFFE00  }
0x5f: {  	[tilespmem:s8], [sflag:$0x1] =	stream.indirect.gather [hbm4b:s3+s7], $0x80, s4, s7, $0xb8;
	[tilespmem:$0x10200] =	vst v63  }
0x60: {  	_ = 	snop  }
0x61: {  	[tilespmem:s9], [sflag:$0x1] =	stream.indirect.gather [hbm4b:s3+s7], $0x80, s7, s7, $0xb8;
	[tilespmem:$0x10200] =	vst v63  }
0x62: {  	_ = 	snop  }
0x63: {  	[tilespmem:s11], [sflag:$0x1] =	stream.indirect.gather [hbm4b:s3+s7], $0x80, s10, s7, $0xb8;
	[tilespmem:$0x10200] =	vst v63  }
0x64: {  	_ = 	snop  }
0x65: {  	[tilespmem:s13], [sflag:$0x1] =	stream.indirect.gather [hbm4b:s3+s7], $0x80, s12, s7, $0xb8;
	[tilespmem:$0x10200] =	vst v63  }
0x66: {  	_ =	swait.ge [sflag:s14], $0x4000  }
0x67: {  	[sflag:s14] =	ssyncset.done $0x0  }
0x68: {  	[sflag:s14] =	ssyncadd.s32 $0xFFFFC000  }
0x69: {  	_ =	swait.ge [sflag:s14], $0x4000  }
0x6a: {  	[sflag:s14] =	ssyncset.done $0x0  }
0x6b: {  	[sflag:s14] =	ssyncadd.s32 $0xFFFFC000  }
0x6c: {  	_ =	swait.ge [sflag:s14], $0x4000  }
0x6d: {  	[sflag:s14] =	ssyncset.done $0x0  }
0x6e: {  	[sflag:s14] =	ssyncadd.s32 $0xFFFFC000  }
0x6f: {  	_ =	swait.ge [sflag:s14], $0x4000  }
.Ltmp1:
0x70: {  	[sflag:s14] =	ssyncset.done $0x0;
	(pc) =	sbr.rel @p0 .LBB2_1-.Ltmp1, $4  }
0x71: {  	[sflag:s14] =	ssyncadd.s32 $0xFFFFC000  }
0x72: {  	[hbm4b:s19+s16] =	stream.strided.scatter [tilespmem:s8], [sflag:$0x2], $0x10000, s17, s16, $0x38;
	[tilespmem:$0x10200] =	vst v63  }
0x73: {  	_ =	swait.ge [sflag:s5], $0x10000  }
0x74: {  	[sflag:s5] =	ssyncset.done $0x0  }
.LBB2_2:
0x75: {  	[sflag:s5] =	ssyncadd.s32 $0xFFFF0000  }
0x76: {  	_ =	sfence.sel $0x180000  }
0x77: {  	[bflag:$0x0] =	sbarrier.arrive $0xFFFF  }
0x78: {  	p0 =	sne.s32 s1, $0x0;
	_ =	strace $0x90000047  }
0x79: {  	s0 =	sadd.s32 @!p0 $0x100000, s0;
	[bflag:$0x2] =	sbarrier.arrive $0xFFFF  }
0x7a: {  	[sflag:s0] =	ssyncadd.tile.s32 @!p0 $0x1;
	_ =	shalt  }
.Lfunc_end2:
_tile_overlayer_lowered:
.L_overlay_start_2:
0x7b: {  	(tag) =	ssettag $0x2  }
0x7c: {  	s0 =	rddreg [dreg:$0x0];
	s2 =	stileid.u32  }
0x7d: {  	s1 =	rddreg [dreg:$0x1];
	p0 =	sne.s32 s2, $0x0  }
0x7e: {  	s3 =	rddreg [dreg:$0x2];
	[bflag:$0x3] =	sbarrier.arrive $0xFFFF;
	s2 =	simm.s32 @!p0 $0x1C02  }
0x7f: {  	[timem:s3], [sflag:s2] =	dma.local @!p0 [hbm:s0], s1  }
0x80: {  	s0 =	simm.s32 @!p0 $0x2  }
0x81: {  	_ =	swait.ge @!p0 [sflag:s0], s1  }
0x82: {  	s1 =	ssub.s32 @!p0 $0x0, s1;
	[sflag:s0] =	ssyncset.done @!p0 $0x0  }
0x83: {  	[sflag:s0] =	ssyncadd.s32 @!p0 s1  }
0x84: {  	[bflag:$0x3] =	sbarrier.arrive $0xFFFF  }
0x85: {  	_ =	shalt  }

</sc_bundles>
